<compile_context>
chip_gen: v7x
topology: tpu7x:2x2x1
jax: 0.10.2.dev20260603
libtpu: 0.0.44.dev20260713+nightly
codegen_flags: <defaults>
</compile_context>

<pallas_src>
import functools

import jax
import jax.numpy as jnp
from jax import lax
from jax.experimental import pallas as pl
from jax.experimental.pallas import tpu as pltpu
from jax.experimental.pallas import tpu_sc as plsc

_TOPK = 2
_NC, _NS, _L = 2, 16, 16


def _router_body(x_ref, wr_ref, br_ref, scores_t_ref, sel_ref, s_ref):
    B, D = x_ref.shape
    E = wr_ref.shape[1]
    x = x_ref[...]
    scores = jax.lax.dot(x, wr_ref[...],
                         preferred_element_type=jnp.float32)
    scores = scores + br_ref[...]
    scores_t = jax.lax.dot_general(
        wr_ref[...], x, (((0,), (1,)), ((), ())),
        preferred_element_type=jnp.float32)
    scores_t_ref[...] = scores_t + br_ref[...].reshape(E, 1)

    iota_e = jax.lax.broadcasted_iota(jnp.int32, (B, E), 1)
    rank = jnp.zeros((B, E), jnp.float32)
    for ep in range(8):
        sp = scores[:, ep:ep + 1]
        gt = (sp > scores).astype(jnp.float32)
        eq = jnp.logical_and(sp == scores, ep < iota_e).astype(jnp.float32)
        rank = rank + gt + eq
    sel = (rank < float(_TOPK)).astype(jnp.float32)
    sel_ref[...] = sel

    s_ref[...] = jax.lax.dot_general(
        sel, x, (((0,), (0,)), ((), ())),
        preferred_element_type=jnp.float32)


def _expert_body(x_ref, we_ref, be_ref, sel_ref, s_ref,
                 final_ref, const_ref):
    e = pl.program_id(0)
    E = pl.num_programs(0)
    B, D = x_ref.shape
    OUT = we_ref.shape[2]
    x = x_ref[...]

    @pl.when(e == 0)
    def _():
        const_ref[...] = jnp.zeros((1, OUT), jnp.float32)

    s_row = s_ref[pl.ds(e, 1), :]
    iota_be = jax.lax.broadcasted_iota(jnp.int32, (E, 1), 0)
    be_row = jnp.sum(be_ref[...] * (iota_be == e).astype(jnp.float32),
                     axis=0, keepdims=True)
    mean_e = jax.lax.dot(s_row, we_ref[0],
                         preferred_element_type=jnp.float32)
    mean_e = mean_e * jnp.float32(1.0 / B) + be_row
    m = jnp.max(mean_e, axis=1, keepdims=True)
    ex = jnp.exp(mean_e - m)
    g_e = ex / jnp.sum(ex, axis=1, keepdims=True)
    const_ref[...] += be_row * g_e

    iota8 = jax.lax.broadcasted_iota(jnp.int32, (B, E), 1)
    selcol = jnp.sum(sel_ref[...] * (iota8 == e).astype(jnp.float32),
                     axis=1, keepdims=True)
    contrib = jax.lax.dot(x, we_ref[0],
                          preferred_element_type=jnp.float32) * g_e * selcol

    @pl.when(e == 0)
    def _():
        final_ref[...] = contrib

    @pl.when(e != 0)
    def _():
        final_ref[...] = final_ref[...] + contrib

    @pl.when(e == E - 1)
    def _():
        final_ref[...] = final_ref[...] + const_ref[...]


def _make_probs_sc(B, E):
    chunk = B // (_NC * _NS)
    groups = chunk // _L
    mesh = plsc.VectorSubcoreMesh(core_axis_name="c", subcore_axis_name="s")

    @functools.partial(
        pl.kernel, mesh=mesh,
        out_type=jax.ShapeDtypeStruct((_TOPK, B), jnp.float32),
        scratch_types=(
            [pltpu.VMEM((chunk,), jnp.float32) for _ in range(E)]
            + [pltpu.VMEM((chunk,), jnp.float32) for _ in range(_TOPK)]
        ),
    )
    def probs_k(scores_t_hbm, probs_t_hbm, *bufs):
        sbufs = bufs[:E]
        p1buf, p2buf = bufs[E], bufs[E + 1]
        wid = lax.axis_index("s") * _NC + lax.axis_index("c")
        base = wid * chunk
        for e in range(E):
            pltpu.sync_copy(scores_t_hbm.at[e, pl.ds(base, chunk)], sbufs[e])
        one = jnp.full((_L,), 1.0, jnp.float32)
        zero = jnp.full((_L,), 0.0, jnp.float32)
        big = jnp.float32(1e30)
        for j in range(groups):
            sl = pl.ds(j * _L, _L)
            s = [sbufs[e][sl] for e in range(E)]
            m1 = s[0]
            for e in range(1, E):
                m1 = jnp.maximum(m1, s[e])
            found = jnp.where(s[0] == m1, one, zero)
            m2 = s[0] - found * big
            for e in range(1, E):
                eq = jnp.where(s[e] == m1, one, zero)
                is_first = eq * (one - found)
                m2 = jnp.maximum(m2, s[e] - is_first * big)
                found = found + is_first
            p1 = 1.0 / (1.0 + jnp.exp(m2 - m1))
            p1buf[sl] = p1
            p2buf[sl] = 1.0 - p1
        pltpu.sync_copy(p1buf, probs_t_hbm.at[0, pl.ds(base, chunk)])
        pltpu.sync_copy(p2buf, probs_t_hbm.at[1, pl.ds(base, chunk)])

    return probs_k


def kernel(inputs, W_router, b_router, W_experts, b_experts):
    B, D = inputs.shape
    E, _, OUT = W_experts.shape
    br2 = b_router.reshape(1, E)

    scores_t, sel, s = pl.pallas_call(
        _router_body,
        out_shape=[
            jax.ShapeDtypeStruct((E, B), jnp.float32),
            jax.ShapeDtypeStruct((B, E), jnp.float32),
            jax.ShapeDtypeStruct((E, D), jnp.float32),
        ],
    )(inputs, W_router, br2)

    probs_t = _make_probs_sc(B, E)(scores_t)

    final = pl.pallas_call(
        _expert_body,
        grid=(E,),
        in_specs=[
            pl.BlockSpec((B, D), lambda e: (0, 0)),
            pl.BlockSpec((1, D, OUT), lambda e: (e, 0, 0)),
            pl.BlockSpec((E, OUT), lambda e: (0, 0)),
            pl.BlockSpec((B, E), lambda e: (0, 0)),
            pl.BlockSpec((E, D), lambda e: (0, 0)),
        ],
        out_specs=pl.BlockSpec((B, OUT), lambda e: (0, 0)),
        out_shape=jax.ShapeDtypeStruct((B, OUT), jnp.float32),
        scratch_shapes=[
            pltpu.VMEM((1, OUT), jnp.float32),
        ],
        compiler_params=pltpu.CompilerParams(
            dimension_semantics=("arbitrary",),
        ),
    )(inputs, W_experts, b_experts, sel, s)

    return final, probs_t.T

# --- scband reference (transcript-rebuilt; emitter-appended) ---
"""Pipeline reference for scband-mixture-of-experts-56684978373121 (READ-ONLY COPY).

The authoritative reference and input builder live on the scoring server;
editing this copy changes nothing except your own understanding.
"""

import jax, jax.numpy as jnp
import numpy as np

TOP_K = 2

def setup_inputs(seed: int = 0) -> dict:
    key = jax.random.key(seed)
    ks = jax.random.split(key, 4)
    B, D, E, OUT = 2048, 768, 8, 768
    inputs = jax.random.normal(ks[0], (B, D), dtype=jnp.float32)
    W_router = jax.random.normal(ks[1], (D, E), dtype=jnp.float32) * (1.0 / np.sqrt(D))
    b_router = jnp.zeros((E,), dtype=jnp.float32)
    W_experts = jax.random.normal(ks[2], (E, D, OUT), dtype=jnp.float32) * (1.0 / np.sqrt(D))
    b_experts = jnp.zeros((E, OUT), dtype=jnp.float32)
    return {"inputs": inputs, "W_router": W_router, "b_router": b_router,
            "W_experts": W_experts, "b_experts": b_experts}

def reference(inputs, W_router, b_router, W_experts, b_experts):
    B, D = inputs.shape
    E = W_experts.shape[0]
    # TopKRouter
    scores = inputs @ W_router + b_router
    top_k_score, top_k_indices = jax.lax.top_k(scores, TOP_K)
    probabilities = jax.nn.softmax(top_k_score, axis=1)
    # inputs.unsqueeze(1).expand(-1, E, -1) then scatter(1, top_k_indices, expanded)
    # torch scatter semantics: expert_inputs[b, idx[b,k], d] = expanded[b, k, d] = inputs[b, d]
    src = jnp.broadcast_to(inputs[:, None, :], (B, TOP_K, D))
    b_idx = jnp.broadcast_to(jnp.arange(B)[:, None], (B, TOP_K))
    expert_inputs = jnp.zeros((B, E, D), dtype=inputs.dtype).at[b_idx, top_k_indices, :].set(src)
    # per-expert Linear: expert_results[:, i, :] = expert_inputs[:, i, :] @ W_experts[i] + b_experts[i]
    expert_results = jnp.einsum('bed,edo->beo', expert_inputs, W_experts) + b_experts[None, :, :]
    # gate = softmax over last dim of mean over batch
    gate_weights = jax.nn.softmax(expert_results.mean(axis=0), axis=-1)  # [E, OUT]
    final_output = jnp.sum(expert_results * gate_weights[None, :, :], axis=1)  # [B, OUT]
    return final_output, probabilities

if __name__ == "__main__":
    import jax
    _d = setup_inputs()
    print(jax.jit(kernel)(*tuple(_d.values())))

</pallas_src>

<mosaic_0001>
#map = affine_map<(d0, d1) -> (0, 0)>
module attributes {stable_mosaic.version = 14 : i64} {
  func.func @probs_k(%arg0: i32, %arg1: i32, %arg2: memref<8x2048xf32, #tpu.memory_space<hbm>>, %arg3: memref<2x2048xf32, #tpu.memory_space<hbm>>, %arg4: memref<64xf32, #tpu.memory_space<vmem>>, %arg5: memref<64xf32, #tpu.memory_space<vmem>>, %arg6: memref<64xf32, #tpu.memory_space<vmem>>, %arg7: memref<64xf32, #tpu.memory_space<vmem>>, %arg8: memref<64xf32, #tpu.memory_space<vmem>>, %arg9: memref<64xf32, #tpu.memory_space<vmem>>, %arg10: memref<64xf32, #tpu.memory_space<vmem>>, %arg11: memref<64xf32, #tpu.memory_space<vmem>>, %arg12: memref<64xf32, #tpu.memory_space<vmem>>, %arg13: memref<64xf32, #tpu.memory_space<vmem>>) attributes {dimension_semantics = [#tpu.dimension_semantics<core_parallel>, #tpu.dimension_semantics<subcore_parallel>], iteration_bounds = array<i64: 2, 16>, scalar_prefetch = 0 : i64, scratch_operands = 10 : i64, tpu.core_type = #tpu.core_type<sc_vector_subcore>, window_params = [{transform_indices = #map}, {transform_indices = #map}]} {
    %mul3A = arith.constant 2 : i32
    %mul3A_0 = arith.muli %arg1, %mul3A : i32
    %add3A = arith.addi %mul3A_0, %arg0 : i32
    %mul3A_1 = arith.constant 64 : i32
    %mul3A_2 = arith.muli %add3A, %mul3A_1 : i32
    %run_scoped3A = arith.constant 0 : i32
    "tpu.region"() ({
      %run_scoped3A_511 = tpu.sem_alloc : memref<!tpu.dma_semaphore, #tpu.memory_space<semaphore_mem>>
      %dma_start3A = tpu.memref_slice %arg2[%run_scoped3A, %mul3A_2] : memref<8x2048xf32, #tpu.memory_space<hbm>> -> memref<1x64xf32, #tpu.memory_space<hbm>>
      %dma_start3A_512 = tpu.memref_squeeze %dma_start3A : memref<1x64xf32, #tpu.memory_space<hbm>> -> memref<64xf32, #tpu.memory_space<hbm>>
      %dma_start3A_513 = tpu.memref_slice %arg2[%run_scoped3A, %mul3A_2] : memref<8x2048xf32, #tpu.memory_space<hbm>> -> memref<1x64xf32, #tpu.memory_space<hbm>>
      %dma_start3A_514 = tpu.memref_squeeze %dma_start3A_513 : memref<1x64xf32, #tpu.memory_space<hbm>> -> memref<64xf32, #tpu.memory_space<hbm>>
      tpu.enqueue_dma source(%dma_start3A_514 : memref<64xf32, #tpu.memory_space<hbm>>) target(%arg4 : memref<64xf32, #tpu.memory_space<vmem>>) target_semaphore(%run_scoped3A_511 : memref<!tpu.dma_semaphore, #tpu.memory_space<semaphore_mem>>)
      %dma_wait3A = tpu.memref_slice %arg2[%run_scoped3A, %mul3A_2] : memref<8x2048xf32, #tpu.memory_space<hbm>> -> memref<1x64xf32, #tpu.memory_space<hbm>>
      %dma_wait3A_515 = tpu.memref_squeeze %dma_wait3A : memref<1x64xf32, #tpu.memory_space<hbm>> -> memref<64xf32, #tpu.memory_space<hbm>>
      %dma_wait3A_516 = tpu.memref_slice %arg2[%run_scoped3A, %mul3A_2] : memref<8x2048xf32, #tpu.memory_space<hbm>> -> memref<1x64xf32, #tpu.memory_space<hbm>>
      %dma_wait3A_517 = tpu.memref_squeeze %dma_wait3A_516 : memref<1x64xf32, #tpu.memory_space<hbm>> -> memref<64xf32, #tpu.memory_space<hbm>>
      tpu.wait_dma2 semaphore(%run_scoped3A_511 : memref<!tpu.dma_semaphore, #tpu.memory_space<semaphore_mem>>) src(%dma_wait3A_517 : memref<64xf32, #tpu.memory_space<hbm>>) dst(%arg4 : memref<64xf32, #tpu.memory_space<vmem>>)
      tpu.yield
    }) : () -> ()
    %run_scoped3A_3 = arith.constant 1 : i32
    "tpu.region"() ({
      %run_scoped3A_511 = tpu.sem_alloc : memref<!tpu.dma_semaphore, #tpu.memory_space<semaphore_mem>>
      %dma_start3A = tpu.memref_slice %arg2[%run_scoped3A_3, %mul3A_2] : memref<8x2048xf32, #tpu.memory_space<hbm>> -> memref<1x64xf32, #tpu.memory_space<hbm>>
      %dma_start3A_512 = tpu.memref_squeeze %dma_start3A : memref<1x64xf32, #tpu.memory_space<hbm>> -> memref<64xf32, #tpu.memory_space<hbm>>
      %dma_start3A_513 = tpu.memref_slice %arg2[%run_scoped3A_3, %mul3A_2] : memref<8x2048xf32, #tpu.memory_space<hbm>> -> memref<1x64xf32, #tpu.memory_space<hbm>>
      %dma_start3A_514 = tpu.memref_squeeze %dma_start3A_513 : memref<1x64xf32, #tpu.memory_space<hbm>> -> memref<64xf32, #tpu.memory_space<hbm>>
      tpu.enqueue_dma source(%dma_start3A_514 : memref<64xf32, #tpu.memory_space<hbm>>) target(%arg5 : memref<64xf32, #tpu.memory_space<vmem>>) target_semaphore(%run_scoped3A_511 : memref<!tpu.dma_semaphore, #tpu.memory_space<semaphore_mem>>)
      %dma_wait3A = tpu.memref_slice %arg2[%run_scoped3A_3, %mul3A_2] : memref<8x2048xf32, #tpu.memory_space<hbm>> -> memref<1x64xf32, #tpu.memory_space<hbm>>
      %dma_wait3A_515 = tpu.memref_squeeze %dma_wait3A : memref<1x64xf32, #tpu.memory_space<hbm>> -> memref<64xf32, #tpu.memory_space<hbm>>
      %dma_wait3A_516 = tpu.memref_slice %arg2[%run_scoped3A_3, %mul3A_2] : memref<8x2048xf32, #tpu.memory_space<hbm>> -> memref<1x64xf32, #tpu.memory_space<hbm>>
      %dma_wait3A_517 = tpu.memref_squeeze %dma_wait3A_516 : memref<1x64xf32, #tpu.memory_space<hbm>> -> memref<64xf32, #tpu.memory_space<hbm>>
      tpu.wait_dma2 semaphore(%run_scoped3A_511 : memref<!tpu.dma_semaphore, #tpu.memory_space<semaphore_mem>>) src(%dma_wait3A_517 : memref<64xf32, #tpu.memory_space<hbm>>) dst(%arg5 : memref<64xf32, #tpu.memory_space<vmem>>)
      tpu.yield
    }) : () -> ()
    %run_scoped3A_4 = arith.constant 2 : i32
    "tpu.region"() ({
      %run_scoped3A_511 = tpu.sem_alloc : memref<!tpu.dma_semaphore, #tpu.memory_space<semaphore_mem>>
      %dma_start3A = tpu.memref_slice %arg2[%run_scoped3A_4, %mul3A_2] : memref<8x2048xf32, #tpu.memory_space<hbm>> -> memref<1x64xf32, #tpu.memory_space<hbm>>
      %dma_start3A_512 = tpu.memref_squeeze %dma_start3A : memref<1x64xf32, #tpu.memory_space<hbm>> -> memref<64xf32, #tpu.memory_space<hbm>>
      %dma_start3A_513 = tpu.memref_slice %arg2[%run_scoped3A_4, %mul3A_2] : memref<8x2048xf32, #tpu.memory_space<hbm>> -> memref<1x64xf32, #tpu.memory_space<hbm>>
      %dma_start3A_514 = tpu.memref_squeeze %dma_start3A_513 : memref<1x64xf32, #tpu.memory_space<hbm>> -> memref<64xf32, #tpu.memory_space<hbm>>
      tpu.enqueue_dma source(%dma_start3A_514 : memref<64xf32, #tpu.memory_space<hbm>>) target(%arg6 : memref<64xf32, #tpu.memory_space<vmem>>) target_semaphore(%run_scoped3A_511 : memref<!tpu.dma_semaphore, #tpu.memory_space<semaphore_mem>>)
      %dma_wait3A = tpu.memref_slice %arg2[%run_scoped3A_4, %mul3A_2] : memref<8x2048xf32, #tpu.memory_space<hbm>> -> memref<1x64xf32, #tpu.memory_space<hbm>>
      %dma_wait3A_515 = tpu.memref_squeeze %dma_wait3A : memref<1x64xf32, #tpu.memory_space<hbm>> -> memref<64xf32, #tpu.memory_space<hbm>>
      %dma_wait3A_516 = tpu.memref_slice %arg2[%run_scoped3A_4, %mul3A_2] : memref<8x2048xf32, #tpu.memory_space<hbm>> -> memref<1x64xf32, #tpu.memory_space<hbm>>
      %dma_wait3A_517 = tpu.memref_squeeze %dma_wait3A_516 : memref<1x64xf32, #tpu.memory_space<hbm>> -> memref<64xf32, #tpu.memory_space<hbm>>
      tpu.wait_dma2 semaphore(%run_scoped3A_511 : memref<!tpu.dma_semaphore, #tpu.memory_space<semaphore_mem>>) src(%dma_wait3A_517 : memref<64xf32, #tpu.memory_space<hbm>>) dst(%arg6 : memref<64xf32, #tpu.memory_space<vmem>>)
      tpu.yield
    }) : () -> ()
    %run_scoped3A_5 = arith.constant 3 : i32
    "tpu.region"() ({
      %run_scoped3A_511 = tpu.sem_alloc : memref<!tpu.dma_semaphore, #tpu.memory_space<semaphore_mem>>
      %dma_start3A = tpu.memref_slice %arg2[%run_scoped3A_5, %mul3A_2] : memref<8x2048xf32, #tpu.memory_space<hbm>> -> memref<1x64xf32, #tpu.memory_space<hbm>>
      %dma_start3A_512 = tpu.memref_squeeze %dma_start3A : memref<1x64xf32, #tpu.memory_space<hbm>> -> memref<64xf32, #tpu.memory_space<hbm>>
      %dma_start3A_513 = tpu.memref_slice %arg2[%run_scoped3A_5, %mul3A_2] : memref<8x2048xf32, #tpu.memory_space<hbm>> -> memref<1x64xf32, #tpu.memory_space<hbm>>
      %dma_start3A_514 = tpu.memref_squeeze %dma_start3A_513 : memref<1x64xf32, #tpu.memory_space<hbm>> -> memref<64xf32, #tpu.memory_space<hbm>>
      tpu.enqueue_dma source(%dma_start3A_514 : memref<64xf32, #tpu.memory_space<hbm>>) target(%arg7 : memref<64xf32, #tpu.memory_space<vmem>>) target_semaphore(%run_scoped3A_511 : memref<!tpu.dma_semaphore, #tpu.memory_space<semaphore_mem>>)
      %dma_wait3A = tpu.memref_slice %arg2[%run_scoped3A_5, %mul3A_2] : memref<8x2048xf32, #tpu.memory_space<hbm>> -> memref<1x64xf32, #tpu.memory_space<hbm>>
      %dma_wait3A_515 = tpu.memref_squeeze %dma_wait3A : memref<1x64xf32, #tpu.memory_space<hbm>> -> memref<64xf32, #tpu.memory_space<hbm>>
      %dma_wait3A_516 = tpu.memref_slice %arg2[%run_scoped3A_5, %mul3A_2] : memref<8x2048xf32, #tpu.memory_space<hbm>> -> memref<1x64xf32, #tpu.memory_space<hbm>>
      %dma_wait3A_517 = tpu.memref_squeeze %dma_wait3A_516 : memref<1x64xf32, #tpu.memory_space<hbm>> -> memref<64xf32, #tpu.memory_space<hbm>>
      tpu.wait_dma2 semaphore(%run_scoped3A_511 : memref<!tpu.dma_semaphore, #tpu.memory_space<semaphore_mem>>) src(%dma_wait3A_517 : memref<64xf32, #tpu.memory_space<hbm>>) dst(%arg7 : memref<64xf32, #tpu.memory_space<vmem>>)
      tpu.yield
    }) : () -> ()
    %run_scoped3A_6 = arith.constant 4 : i32
    "tpu.region"() ({
      %run_scoped3A_511 = tpu.sem_alloc : memref<!tpu.dma_semaphore, #tpu.memory_space<semaphore_mem>>
      %dma_start3A = tpu.memref_slice %arg2[%run_scoped3A_6, %mul3A_2] : memref<8x2048xf32, #tpu.memory_space<hbm>> -> memref<1x64xf32, #tpu.memory_space<hbm>>
      %dma_start3A_512 = tpu.memref_squeeze %dma_start3A : memref<1x64xf32, #tpu.memory_space<hbm>> -> memref<64xf32, #tpu.memory_space<hbm>>
      %dma_start3A_513 = tpu.memref_slice %arg2[%run_scoped3A_6, %mul3A_2] : memref<8x2048xf32, #tpu.memory_space<hbm>> -> memref<1x64xf32, #tpu.memory_space<hbm>>
      %dma_start3A_514 = tpu.memref_squeeze %dma_start3A_513 : memref<1x64xf32, #tpu.memory_space<hbm>> -> memref<64xf32, #tpu.memory_space<hbm>>
      tpu.enqueue_dma source(%dma_start3A_514 : memref<64xf32, #tpu.memory_space<hbm>>) target(%arg8 : memref<64xf32, #tpu.memory_space<vmem>>) target_semaphore(%run_scoped3A_511 : memref<!tpu.dma_semaphore, #tpu.memory_space<semaphore_mem>>)
      %dma_wait3A = tpu.memref_slice %arg2[%run_scoped3A_6, %mul3A_2] : memref<8x2048xf32, #tpu.memory_space<hbm>> -> memref<1x64xf32, #tpu.memory_space<hbm>>
      %dma_wait3A_515 = tpu.memref_squeeze %dma_wait3A : memref<1x64xf32, #tpu.memory_space<hbm>> -> memref<64xf32, #tpu.memory_space<hbm>>
      %dma_wait3A_516 = tpu.memref_slice %arg2[%run_scoped3A_6, %mul3A_2] : memref<8x2048xf32, #tpu.memory_space<hbm>> -> memref<1x64xf32, #tpu.memory_space<hbm>>
      %dma_wait3A_517 = tpu.memref_squeeze %dma_wait3A_516 : memref<1x64xf32, #tpu.memory_space<hbm>> -> memref<64xf32, #tpu.memory_space<hbm>>
      tpu.wait_dma2 semaphore(%run_scoped3A_511 : memref<!tpu.dma_semaphore, #tpu.memory_space<semaphore_mem>>) src(%dma_wait3A_517 : memref<64xf32, #tpu.memory_space<hbm>>) dst(%arg8 : memref<64xf32, #tpu.memory_space<vmem>>)
      tpu.yield
    }) : () -> ()
    %run_scoped3A_7 = arith.constant 5 : i32
    "tpu.region"() ({
      %run_scoped3A_511 = tpu.sem_alloc : memref<!tpu.dma_semaphore, #tpu.memory_space<semaphore_mem>>
      %dma_start3A = tpu.memref_slice %arg2[%run_scoped3A_7, %mul3A_2] : memref<8x2048xf32, #tpu.memory_space<hbm>> -> memref<1x64xf32, #tpu.memory_space<hbm>>
      %dma_start3A_512 = tpu.memref_squeeze %dma_start3A : memref<1x64xf32, #tpu.memory_space<hbm>> -> memref<64xf32, #tpu.memory_space<hbm>>
      %dma_start3A_513 = tpu.memref_slice %arg2[%run_scoped3A_7, %mul3A_2] : memref<8x2048xf32, #tpu.memory_space<hbm>> -> memref<1x64xf32, #tpu.memory_space<hbm>>
      %dma_start3A_514 = tpu.memref_squeeze %dma_start3A_513 : memref<1x64xf32, #tpu.memory_space<hbm>> -> memref<64xf32, #tpu.memory_space<hbm>>
      tpu.enqueue_dma source(%dma_start3A_514 : memref<64xf32, #tpu.memory_space<hbm>>) target(%arg9 : memref<64xf32, #tpu.memory_space<vmem>>) target_semaphore(%run_scoped3A_511 : memref<!tpu.dma_semaphore, #tpu.memory_space<semaphore_mem>>)
      %dma_wait3A = tpu.memref_slice %arg2[%run_scoped3A_7, %mul3A_2] : memref<8x2048xf32, #tpu.memory_space<hbm>> -> memref<1x64xf32, #tpu.memory_space<hbm>>
      %dma_wait3A_515 = tpu.memref_squeeze %dma_wait3A : memref<1x64xf32, #tpu.memory_space<hbm>> -> memref<64xf32, #tpu.memory_space<hbm>>
      %dma_wait3A_516 = tpu.memref_slice %arg2[%run_scoped3A_7, %mul3A_2] : memref<8x2048xf32, #tpu.memory_space<hbm>> -> memref<1x64xf32, #tpu.memory_space<hbm>>
      %dma_wait3A_517 = tpu.memref_squeeze %dma_wait3A_516 : memref<1x64xf32, #tpu.memory_space<hbm>> -> memref<64xf32, #tpu.memory_space<hbm>>
      tpu.wait_dma2 semaphore(%run_scoped3A_511 : memref<!tpu.dma_semaphore, #tpu.memory_space<semaphore_mem>>) src(%dma_wait3A_517 : memref<64xf32, #tpu.memory_space<hbm>>) dst(%arg9 : memref<64xf32, #tpu.memory_space<vmem>>)
      tpu.yield
    }) : () -> ()
    %run_scoped3A_8 = arith.constant 6 : i32
    "tpu.region"() ({
      %run_scoped3A_511 = tpu.sem_alloc : memref<!tpu.dma_semaphore, #tpu.memory_space<semaphore_mem>>
      %dma_start3A = tpu.memref_slice %arg2[%run_scoped3A_8, %mul3A_2] : memref<8x2048xf32, #tpu.memory_space<hbm>> -> memref<1x64xf32, #tpu.memory_space<hbm>>
      %dma_start3A_512 = tpu.memref_squeeze %dma_start3A : memref<1x64xf32, #tpu.memory_space<hbm>> -> memref<64xf32, #tpu.memory_space<hbm>>
      %dma_start3A_513 = tpu.memref_slice %arg2[%run_scoped3A_8, %mul3A_2] : memref<8x2048xf32, #tpu.memory_space<hbm>> -> memref<1x64xf32, #tpu.memory_space<hbm>>
      %dma_start3A_514 = tpu.memref_squeeze %dma_start3A_513 : memref<1x64xf32, #tpu.memory_space<hbm>> -> memref<64xf32, #tpu.memory_space<hbm>>
      tpu.enqueue_dma source(%dma_start3A_514 : memref<64xf32, #tpu.memory_space<hbm>>) target(%arg10 : memref<64xf32, #tpu.memory_space<vmem>>) target_semaphore(%run_scoped3A_511 : memref<!tpu.dma_semaphore, #tpu.memory_space<semaphore_mem>>)
      %dma_wait3A = tpu.memref_slice %arg2[%run_scoped3A_8, %mul3A_2] : memref<8x2048xf32, #tpu.memory_space<hbm>> -> memref<1x64xf32, #tpu.memory_space<hbm>>
      %dma_wait3A_515 = tpu.memref_squeeze %dma_wait3A : memref<1x64xf32, #tpu.memory_space<hbm>> -> memref<64xf32, #tpu.memory_space<hbm>>
      %dma_wait3A_516 = tpu.memref_slice %arg2[%run_scoped3A_8, %mul3A_2] : memref<8x2048xf32, #tpu.memory_space<hbm>> -> memref<1x64xf32, #tpu.memory_space<hbm>>
      %dma_wait3A_517 = tpu.memref_squeeze %dma_wait3A_516 : memref<1x64xf32, #tpu.memory_space<hbm>> -> memref<64xf32, #tpu.memory_space<hbm>>
      tpu.wait_dma2 semaphore(%run_scoped3A_511 : memref<!tpu.dma_semaphore, #tpu.memory_space<semaphore_mem>>) src(%dma_wait3A_517 : memref<64xf32, #tpu.memory_space<hbm>>) dst(%arg10 : memref<64xf32, #tpu.memory_space<vmem>>)
      tpu.yield
    }) : () -> ()
    %run_scoped3A_9 = arith.constant 7 : i32
    "tpu.region"() ({
      %run_scoped3A_511 = tpu.sem_alloc : memref<!tpu.dma_semaphore, #tpu.memory_space<semaphore_mem>>
      %dma_start3A = tpu.memref_slice %arg2[%run_scoped3A_9, %mul3A_2] : memref<8x2048xf32, #tpu.memory_space<hbm>> -> memref<1x64xf32, #tpu.memory_space<hbm>>
      %dma_start3A_512 = tpu.memref_squeeze %dma_start3A : memref<1x64xf32, #tpu.memory_space<hbm>> -> memref<64xf32, #tpu.memory_space<hbm>>
      %dma_start3A_513 = tpu.memref_slice %arg2[%run_scoped3A_9, %mul3A_2] : memref<8x2048xf32, #tpu.memory_space<hbm>> -> memref<1x64xf32, #tpu.memory_space<hbm>>
      %dma_start3A_514 = tpu.memref_squeeze %dma_start3A_513 : memref<1x64xf32, #tpu.memory_space<hbm>> -> memref<64xf32, #tpu.memory_space<hbm>>
      tpu.enqueue_dma source(%dma_start3A_514 : memref<64xf32, #tpu.memory_space<hbm>>) target(%arg11 : memref<64xf32, #tpu.memory_space<vmem>>) target_semaphore(%run_scoped3A_511 : memref<!tpu.dma_semaphore, #tpu.memory_space<semaphore_mem>>)
      %dma_wait3A = tpu.memref_slice %arg2[%run_scoped3A_9, %mul3A_2] : memref<8x2048xf32, #tpu.memory_space<hbm>> -> memref<1x64xf32, #tpu.memory_space<hbm>>
      %dma_wait3A_515 = tpu.memref_squeeze %dma_wait3A : memref<1x64xf32, #tpu.memory_space<hbm>> -> memref<64xf32, #tpu.memory_space<hbm>>
      %dma_wait3A_516 = tpu.memref_slice %arg2[%run_scoped3A_9, %mul3A_2] : memref<8x2048xf32, #tpu.memory_space<hbm>> -> memref<1x64xf32, #tpu.memory_space<hbm>>
      %dma_wait3A_517 = tpu.memref_squeeze %dma_wait3A_516 : memref<1x64xf32, #tpu.memory_space<hbm>> -> memref<64xf32, #tpu.memory_space<hbm>>
      tpu.wait_dma2 semaphore(%run_scoped3A_511 : memref<!tpu.dma_semaphore, #tpu.memory_space<semaphore_mem>>) src(%dma_wait3A_517 : memref<64xf32, #tpu.memory_space<hbm>>) dst(%arg11 : memref<64xf32, #tpu.memory_space<vmem>>)
      tpu.yield
    }) : () -> ()
    %broadcast_in_dim3A = arith.constant 1.000000e+00 : f32
    %broadcast_in_dim3A_10 = vector.broadcast %broadcast_in_dim3A : f32 to vector<16xf32>
    %broadcast_in_dim3A_11 = arith.constant 0.000000e+00 : f32
    %broadcast_in_dim3A_12 = vector.broadcast %broadcast_in_dim3A_11 : f32 to vector<16xf32>
    %get3A = arith.constant 0 : index
    %get3A_13 = tpu.vector_load %arg4[%get3A] {strides = array<i32>} : memref<64xf32, #tpu.memory_space<vmem>>, vector<16xf32>,
    %get3A_14 = vector.shape_cast %get3A_13 : vector<16xf32> to vector<16xf32>
    %get3A_15 = arith.constant 0 : index
    %get3A_16 = tpu.vector_load %arg5[%get3A_15] {strides = array<i32>} : memref<64xf32, #tpu.memory_space<vmem>>, vector<16xf32>,
    %get3A_17 = vector.shape_cast %get3A_16 : vector<16xf32> to vector<16xf32>
    %get3A_18 = arith.constant 0 : index
    %get3A_19 = tpu.vector_load %arg6[%get3A_18] {strides = array<i32>} : memref<64xf32, #tpu.memory_space<vmem>>, vector<16xf32>,
    %get3A_20 = vector.shape_cast %get3A_19 : vector<16xf32> to vector<16xf32>
    %get3A_21 = arith.constant 0 : index
    %get3A_22 = tpu.vector_load %arg7[%get3A_21] {strides = array<i32>} : memref<64xf32, #tpu.memory_space<vmem>>, vector<16xf32>,
    %get3A_23 = vector.shape_cast %get3A_22 : vector<16xf32> to vector<16xf32>
    %get3A_24 = arith.constant 0 : index
    %get3A_25 = tpu.vector_load %arg8[%get3A_24] {strides = array<i32>} : memref<64xf32, #tpu.memory_space<vmem>>, vector<16xf32>,
    %get3A_26 = vector.shape_cast %get3A_25 : vector<16xf32> to vector<16xf32>
    %get3A_27 = arith.constant 0 : index
    %get3A_28 = tpu.vector_load %arg9[%get3A_27] {strides = array<i32>} : memref<64xf32, #tpu.memory_space<vmem>>, vector<16xf32>,
    %get3A_29 = vector.shape_cast %get3A_28 : vector<16xf32> to vector<16xf32>
    %get3A_30 = arith.constant 0 : index
    %get3A_31 = tpu.vector_load %arg10[%get3A_30] {strides = array<i32>} : memref<64xf32, #tpu.memory_space<vmem>>, vector<16xf32>,
    %get3A_32 = vector.shape_cast %get3A_31 : vector<16xf32> to vector<16xf32>
    %get3A_33 = arith.constant 0 : index
    %get3A_34 = tpu.vector_load %arg11[%get3A_33] {strides = array<i32>} : memref<64xf32, #tpu.memory_space<vmem>>, vector<16xf32>,
    %get3A_35 = vector.shape_cast %get3A_34 : vector<16xf32> to vector<16xf32>
    %max3A = arith.maximumf %get3A_14, %get3A_17 : vector<16xf32>
    %max3A_36 = arith.maximumf %max3A, %get3A_20 : vector<16xf32>
    %max3A_37 = arith.maximumf %max3A_36, %get3A_23 : vector<16xf32>
    %max3A_38 = arith.maximumf %max3A_37, %get3A_26 : vector<16xf32>
    %max3A_39 = arith.maximumf %max3A_38, %get3A_29 : vector<16xf32>
    %max3A_40 = arith.maximumf %max3A_39, %get3A_32 : vector<16xf32>
    %max3A_41 = arith.maximumf %max3A_40, %get3A_35 : vector<16xf32>
    %eq3A = arith.cmpf oeq, %get3A_14, %max3A_41 : vector<16xf32>
    %select_n3A = arith.select %eq3A, %broadcast_in_dim3A_10, %broadcast_in_dim3A_12 : vector<16xi1>, vector<16xf32>
    %mul3A_42 = arith.constant 1.000000e+30 : f32
    %mul3A_43 = vector.broadcast %mul3A_42 : f32 to vector<16xf32>
    %mul3A_44 = arith.mulf %select_n3A, %mul3A_43 : vector<16xf32>
    %sub3A = arith.subf %get3A_14, %mul3A_44 : vector<16xf32>
    %eq3A_45 = arith.cmpf oeq, %get3A_17, %max3A_41 : vector<16xf32>
    %select_n3A_46 = arith.select %eq3A_45, %broadcast_in_dim3A_10, %broadcast_in_dim3A_12 : vector<16xi1>, vector<16xf32>
    %sub3A_47 = arith.subf %broadcast_in_dim3A_10, %select_n3A : vector<16xf32>
    %mul3A_48 = arith.mulf %select_n3A_46, %sub3A_47 : vector<16xf32>
    %mul3A_49 = arith.constant 1.000000e+30 : f32
    %mul3A_50 = vector.broadcast %mul3A_49 : f32 to vector<16xf32>
    %mul3A_51 = arith.mulf %mul3A_48, %mul3A_50 : vector<16xf32>
    %sub3A_52 = arith.subf %get3A_17, %mul3A_51 : vector<16xf32>
    %max3A_53 = arith.maximumf %sub3A, %sub3A_52 : vector<16xf32>
    %add3A_54 = arith.addf %select_n3A, %mul3A_48 : vector<16xf32>
    %eq3A_55 = arith.cmpf oeq, %get3A_20, %max3A_41 : vector<16xf32>
    %select_n3A_56 = arith.select %eq3A_55, %broadcast_in_dim3A_10, %broadcast_in_dim3A_12 : vector<16xi1>, vector<16xf32>
    %sub3A_57 = arith.subf %broadcast_in_dim3A_10, %add3A_54 : vector<16xf32>
    %mul3A_58 = arith.mulf %select_n3A_56, %sub3A_57 : vector<16xf32>
    %mul3A_59 = arith.constant 1.000000e+30 : f32
    %mul3A_60 = vector.broadcast %mul3A_59 : f32 to vector<16xf32>
    %mul3A_61 = arith.mulf %mul3A_58, %mul3A_60 : vector<16xf32>
    %sub3A_62 = arith.subf %get3A_20, %mul3A_61 : vector<16xf32>
    %max3A_63 = arith.maximumf %max3A_53, %sub3A_62 : vector<16xf32>
    %add3A_64 = arith.addf %add3A_54, %mul3A_58 : vector<16xf32>
    %eq3A_65 = arith.cmpf oeq, %get3A_23, %max3A_41 : vector<16xf32>
    %select_n3A_66 = arith.select %eq3A_65, %broadcast_in_dim3A_10, %broadcast_in_dim3A_12 : vector<16xi1>, vector<16xf32>
    %sub3A_67 = arith.subf %broadcast_in_dim3A_10, %add3A_64 : vector<16xf32>
    %mul3A_68 = arith.mulf %select_n3A_66, %sub3A_67 : vector<16xf32>
    %mul3A_69 = arith.constant 1.000000e+30 : f32
    %mul3A_70 = vector.broadcast %mul3A_69 : f32 to vector<16xf32>
    %mul3A_71 = arith.mulf %mul3A_68, %mul3A_70 : vector<16xf32>
    %sub3A_72 = arith.subf %get3A_23, %mul3A_71 : vector<16xf32>
    %max3A_73 = arith.maximumf %max3A_63, %sub3A_72 : vector<16xf32>
    %add3A_74 = arith.addf %add3A_64, %mul3A_68 : vector<16xf32>
    %eq3A_75 = arith.cmpf oeq, %get3A_26, %max3A_41 : vector<16xf32>
    %select_n3A_76 = arith.select %eq3A_75, %broadcast_in_dim3A_10, %broadcast_in_dim3A_12 : vector<16xi1>, vector<16xf32>
    %sub3A_77 = arith.subf %broadcast_in_dim3A_10, %add3A_74 : vector<16xf32>
    %mul3A_78 = arith.mulf %select_n3A_76, %sub3A_77 : vector<16xf32>
    %mul3A_79 = arith.constant 1.000000e+30 : f32
    %mul3A_80 = vector.broadcast %mul3A_79 : f32 to vector<16xf32>
    %mul3A_81 = arith.mulf %mul3A_78, %mul3A_80 : vector<16xf32>
    %sub3A_82 = arith.subf %get3A_26, %mul3A_81 : vector<16xf32>
    %max3A_83 = arith.maximumf %max3A_73, %sub3A_82 : vector<16xf32>
    %add3A_84 = arith.addf %add3A_74, %mul3A_78 : vector<16xf32>
    %eq3A_85 = arith.cmpf oeq, %get3A_29, %max3A_41 : vector<16xf32>
    %select_n3A_86 = arith.select %eq3A_85, %broadcast_in_dim3A_10, %broadcast_in_dim3A_12 : vector<16xi1>, vector<16xf32>
    %sub3A_87 = arith.subf %broadcast_in_dim3A_10, %add3A_84 : vector<16xf32>
    %mul3A_88 = arith.mulf %select_n3A_86, %sub3A_87 : vector<16xf32>
    %mul3A_89 = arith.constant 1.000000e+30 : f32
    %mul3A_90 = vector.broadcast %mul3A_89 : f32 to vector<16xf32>
    %mul3A_91 = arith.mulf %mul3A_88, %mul3A_90 : vector<16xf32>
    %sub3A_92 = arith.subf %get3A_29, %mul3A_91 : vector<16xf32>
    %max3A_93 = arith.maximumf %max3A_83, %sub3A_92 : vector<16xf32>
    %add3A_94 = arith.addf %add3A_84, %mul3A_88 : vector<16xf32>
    %eq3A_95 = arith.cmpf oeq, %get3A_32, %max3A_41 : vector<16xf32>
    %select_n3A_96 = arith.select %eq3A_95, %broadcast_in_dim3A_10, %broadcast_in_dim3A_12 : vector<16xi1>, vector<16xf32>
    %sub3A_97 = arith.subf %broadcast_in_dim3A_10, %add3A_94 : vector<16xf32>
    %mul3A_98 = arith.mulf %select_n3A_96, %sub3A_97 : vector<16xf32>
    %mul3A_99 = arith.constant 1.000000e+30 : f32
    %mul3A_100 = vector.broadcast %mul3A_99 : f32 to vector<16xf32>
    %mul3A_101 = arith.mulf %mul3A_98, %mul3A_100 : vector<16xf32>
    %sub3A_102 = arith.subf %get3A_32, %mul3A_101 : vector<16xf32>
    %max3A_103 = arith.maximumf %max3A_93, %sub3A_102 : vector<16xf32>
    %add3A_104 = arith.addf %add3A_94, %mul3A_98 : vector<16xf32>
    %eq3A_105 = arith.cmpf oeq, %get3A_35, %max3A_41 : vector<16xf32>
    %select_n3A_106 = arith.select %eq3A_105, %broadcast_in_dim3A_10, %broadcast_in_dim3A_12 : vector<16xi1>, vector<16xf32>
    %sub3A_107 = arith.subf %broadcast_in_dim3A_10, %add3A_104 : vector<16xf32>
    %mul3A_108 = arith.mulf %select_n3A_106, %sub3A_107 : vector<16xf32>
    %mul3A_109 = arith.constant 1.000000e+30 : f32
    %mul3A_110 = vector.broadcast %mul3A_109 : f32 to vector<16xf32>
    %mul3A_111 = arith.mulf %mul3A_108, %mul3A_110 : vector<16xf32>
    %sub3A_112 = arith.subf %get3A_35, %mul3A_111 : vector<16xf32>
    %max3A_113 = arith.maximumf %max3A_103, %sub3A_112 : vector<16xf32>
    %add3A_114 = arith.addf %add3A_104, %mul3A_108 : vector<16xf32>
    %sub3A_115 = arith.subf %max3A_113, %max3A_41 : vector<16xf32>
    %exp3A = math.exp %sub3A_115 : vector<16xf32>
    %add3A_116 = arith.constant 1.000000e+00 : f32
    %add3A_117 = vector.broadcast %add3A_116 : f32 to vector<16xf32>
    %add3A_118 = arith.addf %add3A_117, %exp3A : vector<16xf32>
    %div3A = arith.constant 1.000000e+00 : f32
    %div3A_119 = vector.broadcast %div3A : f32 to vector<16xf32>
    %div3A_120 = arith.divf %div3A_119, %add3A_118 : vector<16xf32>
    %swap3A = arith.constant 0 : index
    %swap3A_121 = tpu.vector_load %arg12[%swap3A] {strides = array<i32>} : memref<64xf32, #tpu.memory_space<vmem>>, vector<16xf32>,
    %swap3A_122 = vector.shape_cast %swap3A_121 : vector<16xf32> to vector<16xf32>
    %swap3A_123 = vector.shape_cast %div3A_120 : vector<16xf32> to vector<16xf32>
    tpu.vector_store %arg12[%swap3A], %swap3A_123 {strides = array<i32>} : memref<64xf32, #tpu.memory_space<vmem>>, vector<16xf32>,
    %sub3A_124 = arith.constant 1.000000e+00 : f32
    %sub3A_125 = vector.broadcast %sub3A_124 : f32 to vector<16xf32>
    %sub3A_126 = arith.subf %sub3A_125, %div3A_120 : vector<16xf32>
    %swap3A_127 = arith.constant 0 : index
    %swap3A_128 = tpu.vector_load %arg13[%swap3A_127] {strides = array<i32>} : memref<64xf32, #tpu.memory_space<vmem>>, vector<16xf32>,
    %swap3A_129 = vector.shape_cast %swap3A_128 : vector<16xf32> to vector<16xf32>
    %swap3A_130 = vector.shape_cast %sub3A_126 : vector<16xf32> to vector<16xf32>
    tpu.vector_store %arg13[%swap3A_127], %swap3A_130 {strides = array<i32>} : memref<64xf32, #tpu.memory_space<vmem>>, vector<16xf32>,
    %get3A_131 = arith.constant 16 : index
    %get3A_132 = tpu.vector_load %arg4[%get3A_131] {strides = array<i32>} : memref<64xf32, #tpu.memory_space<vmem>>, vector<16xf32>,
    %get3A_133 = vector.shape_cast %get3A_132 : vector<16xf32> to vector<16xf32>
    %get3A_134 = arith.constant 16 : index
    %get3A_135 = tpu.vector_load %arg5[%get3A_134] {strides = array<i32>} : memref<64xf32, #tpu.memory_space<vmem>>, vector<16xf32>,
    %get3A_136 = vector.shape_cast %get3A_135 : vector<16xf32> to vector<16xf32>
    %get3A_137 = arith.constant 16 : index
    %get3A_138 = tpu.vector_load %arg6[%get3A_137] {strides = array<i32>} : memref<64xf32, #tpu.memory_space<vmem>>, vector<16xf32>,
    %get3A_139 = vector.shape_cast %get3A_138 : vector<16xf32> to vector<16xf32>
    %get3A_140 = arith.constant 16 : index
    %get3A_141 = tpu.vector_load %arg7[%get3A_140] {strides = array<i32>} : memref<64xf32, #tpu.memory_space<vmem>>, vector<16xf32>,
    %get3A_142 = vector.shape_cast %get3A_141 : vector<16xf32> to vector<16xf32>
    %get3A_143 = arith.constant 16 : index
    %get3A_144 = tpu.vector_load %arg8[%get3A_143] {strides = array<i32>} : memref<64xf32, #tpu.memory_space<vmem>>, vector<16xf32>,
    %get3A_145 = vector.shape_cast %get3A_144 : vector<16xf32> to vector<16xf32>
    %get3A_146 = arith.constant 16 : index
    %get3A_147 = tpu.vector_load %arg9[%get3A_146] {strides = array<i32>} : memref<64xf32, #tpu.memory_space<vmem>>, vector<16xf32>,
    %get3A_148 = vector.shape_cast %get3A_147 : vector<16xf32> to vector<16xf32>
    %get3A_149 = arith.constant 16 : index
    %get3A_150 = tpu.vector_load %arg10[%get3A_149] {strides = array<i32>} : memref<64xf32, #tpu.memory_space<vmem>>, vector<16xf32>,
    %get3A_151 = vector.shape_cast %get3A_150 : vector<16xf32> to vector<16xf32>
    %get3A_152 = arith.constant 16 : index
    %get3A_153 = tpu.vector_load %arg11[%get3A_152] {strides = array<i32>} : memref<64xf32, #tpu.memory_space<vmem>>, vector<16xf32>,
    %get3A_154 = vector.shape_cast %get3A_153 : vector<16xf32> to vector<16xf32>
    %max3A_155 = arith.maximumf %get3A_133, %get3A_136 : vector<16xf32>
    %max3A_156 = arith.maximumf %max3A_155, %get3A_139 : vector<16xf32>
    %max3A_157 = arith.maximumf %max3A_156, %get3A_142 : vector<16xf32>
    %max3A_158 = arith.maximumf %max3A_157, %get3A_145 : vector<16xf32>
    %max3A_159 = arith.maximumf %max3A_158, %get3A_148 : vector<16xf32>
    %max3A_160 = arith.maximumf %max3A_159, %get3A_151 : vector<16xf32>
    %max3A_161 = arith.maximumf %max3A_160, %get3A_154 : vector<16xf32>
    %eq3A_162 = arith.cmpf oeq, %get3A_133, %max3A_161 : vector<16xf32>
    %select_n3A_163 = arith.select %eq3A_162, %broadcast_in_dim3A_10, %broadcast_in_dim3A_12 : vector<16xi1>, vector<16xf32>
    %mul3A_164 = arith.constant 1.000000e+30 : f32
    %mul3A_165 = vector.broadcast %mul3A_164 : f32 to vector<16xf32>
    %mul3A_166 = arith.mulf %select_n3A_163, %mul3A_165 : vector<16xf32>
    %sub3A_167 = arith.subf %get3A_133, %mul3A_166 : vector<16xf32>
    %eq3A_168 = arith.cmpf oeq, %get3A_136, %max3A_161 : vector<16xf32>
    %select_n3A_169 = arith.select %eq3A_168, %broadcast_in_dim3A_10, %broadcast_in_dim3A_12 : vector<16xi1>, vector<16xf32>
    %sub3A_170 = arith.subf %broadcast_in_dim3A_10, %select_n3A_163 : vector<16xf32>
    %mul3A_171 = arith.mulf %select_n3A_169, %sub3A_170 : vector<16xf32>
    %mul3A_172 = arith.constant 1.000000e+30 : f32
    %mul3A_173 = vector.broadcast %mul3A_172 : f32 to vector<16xf32>
    %mul3A_174 = arith.mulf %mul3A_171, %mul3A_173 : vector<16xf32>
    %sub3A_175 = arith.subf %get3A_136, %mul3A_174 : vector<16xf32>
    %max3A_176 = arith.maximumf %sub3A_167, %sub3A_175 : vector<16xf32>
    %add3A_177 = arith.addf %select_n3A_163, %mul3A_171 : vector<16xf32>
    %eq3A_178 = arith.cmpf oeq, %get3A_139, %max3A_161 : vector<16xf32>
    %select_n3A_179 = arith.select %eq3A_178, %broadcast_in_dim3A_10, %broadcast_in_dim3A_12 : vector<16xi1>, vector<16xf32>
    %sub3A_180 = arith.subf %broadcast_in_dim3A_10, %add3A_177 : vector<16xf32>
    %mul3A_181 = arith.mulf %select_n3A_179, %sub3A_180 : vector<16xf32>
    %mul3A_182 = arith.constant 1.000000e+30 : f32
    %mul3A_183 = vector.broadcast %mul3A_182 : f32 to vector<16xf32>
    %mul3A_184 = arith.mulf %mul3A_181, %mul3A_183 : vector<16xf32>
    %sub3A_185 = arith.subf %get3A_139, %mul3A_184 : vector<16xf32>
    %max3A_186 = arith.maximumf %max3A_176, %sub3A_185 : vector<16xf32>
    %add3A_187 = arith.addf %add3A_177, %mul3A_181 : vector<16xf32>
    %eq3A_188 = arith.cmpf oeq, %get3A_142, %max3A_161 : vector<16xf32>
    %select_n3A_189 = arith.select %eq3A_188, %broadcast_in_dim3A_10, %broadcast_in_dim3A_12 : vector<16xi1>, vector<16xf32>
    %sub3A_190 = arith.subf %broadcast_in_dim3A_10, %add3A_187 : vector<16xf32>
    %mul3A_191 = arith.mulf %select_n3A_189, %sub3A_190 : vector<16xf32>
    %mul3A_192 = arith.constant 1.000000e+30 : f32
    %mul3A_193 = vector.broadcast %mul3A_192 : f32 to vector<16xf32>
    %mul3A_194 = arith.mulf %mul3A_191, %mul3A_193 : vector<16xf32>
    %sub3A_195 = arith.subf %get3A_142, %mul3A_194 : vector<16xf32>
    %max3A_196 = arith.maximumf %max3A_186, %sub3A_195 : vector<16xf32>
    %add3A_197 = arith.addf %add3A_187, %mul3A_191 : vector<16xf32>
    %eq3A_198 = arith.cmpf oeq, %get3A_145, %max3A_161 : vector<16xf32>
    %select_n3A_199 = arith.select %eq3A_198, %broadcast_in_dim3A_10, %broadcast_in_dim3A_12 : vector<16xi1>, vector<16xf32>
    %sub3A_200 = arith.subf %broadcast_in_dim3A_10, %add3A_197 : vector<16xf32>
    %mul3A_201 = arith.mulf %select_n3A_199, %sub3A_200 : vector<16xf32>
    %mul3A_202 = arith.constant 1.000000e+30 : f32
    %mul3A_203 = vector.broadcast %mul3A_202 : f32 to vector<16xf32>
    %mul3A_204 = arith.mulf %mul3A_201, %mul3A_203 : vector<16xf32>
    %sub3A_205 = arith.subf %get3A_145, %mul3A_204 : vector<16xf32>
    %max3A_206 = arith.maximumf %max3A_196, %sub3A_205 : vector<16xf32>
    %add3A_207 = arith.addf %add3A_197, %mul3A_201 : vector<16xf32>
    %eq3A_208 = arith.cmpf oeq, %get3A_148, %max3A_161 : vector<16xf32>
    %select_n3A_209 = arith.select %eq3A_208, %broadcast_in_dim3A_10, %broadcast_in_dim3A_12 : vector<16xi1>, vector<16xf32>
    %sub3A_210 = arith.subf %broadcast_in_dim3A_10, %add3A_207 : vector<16xf32>
    %mul3A_211 = arith.mulf %select_n3A_209, %sub3A_210 : vector<16xf32>
    %mul3A_212 = arith.constant 1.000000e+30 : f32
    %mul3A_213 = vector.broadcast %mul3A_212 : f32 to vector<16xf32>
    %mul3A_214 = arith.mulf %mul3A_211, %mul3A_213 : vector<16xf32>
    %sub3A_215 = arith.subf %get3A_148, %mul3A_214 : vector<16xf32>
    %max3A_216 = arith.maximumf %max3A_206, %sub3A_215 : vector<16xf32>
    %add3A_217 = arith.addf %add3A_207, %mul3A_211 : vector<16xf32>
    %eq3A_218 = arith.cmpf oeq, %get3A_151, %max3A_161 : vector<16xf32>
    %select_n3A_219 = arith.select %eq3A_218, %broadcast_in_dim3A_10, %broadcast_in_dim3A_12 : vector<16xi1>, vector<16xf32>
    %sub3A_220 = arith.subf %broadcast_in_dim3A_10, %add3A_217 : vector<16xf32>
    %mul3A_221 = arith.mulf %select_n3A_219, %sub3A_220 : vector<16xf32>
    %mul3A_222 = arith.constant 1.000000e+30 : f32
    %mul3A_223 = vector.broadcast %mul3A_222 : f32 to vector<16xf32>
    %mul3A_224 = arith.mulf %mul3A_221, %mul3A_223 : vector<16xf32>
    %sub3A_225 = arith.subf %get3A_151, %mul3A_224 : vector<16xf32>
    %max3A_226 = arith.maximumf %max3A_216, %sub3A_225 : vector<16xf32>
    %add3A_227 = arith.addf %add3A_217, %mul3A_221 : vector<16xf32>
    %eq3A_228 = arith.cmpf oeq, %get3A_154, %max3A_161 : vector<16xf32>
    %select_n3A_229 = arith.select %eq3A_228, %broadcast_in_dim3A_10, %broadcast_in_dim3A_12 : vector<16xi1>, vector<16xf32>
    %sub3A_230 = arith.subf %broadcast_in_dim3A_10, %add3A_227 : vector<16xf32>
    %mul3A_231 = arith.mulf %select_n3A_229, %sub3A_230 : vector<16xf32>
    %mul3A_232 = arith.constant 1.000000e+30 : f32
    %mul3A_233 = vector.broadcast %mul3A_232 : f32 to vector<16xf32>
    %mul3A_234 = arith.mulf %mul3A_231, %mul3A_233 : vector<16xf32>
    %sub3A_235 = arith.subf %get3A_154, %mul3A_234 : vector<16xf32>
    %max3A_236 = arith.maximumf %max3A_226, %sub3A_235 : vector<16xf32>
    %add3A_237 = arith.addf %add3A_227, %mul3A_231 : vector<16xf32>
    %sub3A_238 = arith.subf %max3A_236, %max3A_161 : vector<16xf32>
    %exp3A_239 = math.exp %sub3A_238 : vector<16xf32>
    %add3A_240 = arith.constant 1.000000e+00 : f32
    %add3A_241 = vector.broadcast %add3A_240 : f32 to vector<16xf32>
    %add3A_242 = arith.addf %add3A_241, %exp3A_239 : vector<16xf32>
    %div3A_243 = arith.constant 1.000000e+00 : f32
    %div3A_244 = vector.broadcast %div3A_243 : f32 to vector<16xf32>
    %div3A_245 = arith.divf %div3A_244, %add3A_242 : vector<16xf32>
    %swap3A_246 = arith.constant 16 : index
    %swap3A_247 = tpu.vector_load %arg12[%swap3A_246] {strides = array<i32>} : memref<64xf32, #tpu.memory_space<vmem>>, vector<16xf32>,
    %swap3A_248 = vector.shape_cast %swap3A_247 : vector<16xf32> to vector<16xf32>
    %swap3A_249 = vector.shape_cast %div3A_245 : vector<16xf32> to vector<16xf32>
    tpu.vector_store %arg12[%swap3A_246], %swap3A_249 {strides = array<i32>} : memref<64xf32, #tpu.memory_space<vmem>>, vector<16xf32>,
    %sub3A_250 = arith.constant 1.000000e+00 : f32
    %sub3A_251 = vector.broadcast %sub3A_250 : f32 to vector<16xf32>
    %sub3A_252 = arith.subf %sub3A_251, %div3A_245 : vector<16xf32>
    %swap3A_253 = arith.constant 16 : index
    %swap3A_254 = tpu.vector_load %arg13[%swap3A_253] {strides = array<i32>} : memref<64xf32, #tpu.memory_space<vmem>>, vector<16xf32>,
    %swap3A_255 = vector.shape_cast %swap3A_254 : vector<16xf32> to vector<16xf32>
    %swap3A_256 = vector.shape_cast %sub3A_252 : vector<16xf32> to vector<16xf32>
    tpu.vector_store %arg13[%swap3A_253], %swap3A_256 {strides = array<i32>} : memref<64xf32, #tpu.memory_space<vmem>>, vector<16xf32>,
    %get3A_257 = arith.constant 32 : index
    %get3A_258 = tpu.vector_load %arg4[%get3A_257] {strides = array<i32>} : memref<64xf32, #tpu.memory_space<vmem>>, vector<16xf32>,
    %get3A_259 = vector.shape_cast %get3A_258 : vector<16xf32> to vector<16xf32>
    %get3A_260 = arith.constant 32 : index
    %get3A_261 = tpu.vector_load %arg5[%get3A_260] {strides = array<i32>} : memref<64xf32, #tpu.memory_space<vmem>>, vector<16xf32>,
    %get3A_262 = vector.shape_cast %get3A_261 : vector<16xf32> to vector<16xf32>
    %get3A_263 = arith.constant 32 : index
    %get3A_264 = tpu.vector_load %arg6[%get3A_263] {strides = array<i32>} : memref<64xf32, #tpu.memory_space<vmem>>, vector<16xf32>,
    %get3A_265 = vector.shape_cast %get3A_264 : vector<16xf32> to vector<16xf32>
    %get3A_266 = arith.constant 32 : index
    %get3A_267 = tpu.vector_load %arg7[%get3A_266] {strides = array<i32>} : memref<64xf32, #tpu.memory_space<vmem>>, vector<16xf32>,
    %get3A_268 = vector.shape_cast %get3A_267 : vector<16xf32> to vector<16xf32>
    %get3A_269 = arith.constant 32 : index
    %get3A_270 = tpu.vector_load %arg8[%get3A_269] {strides = array<i32>} : memref<64xf32, #tpu.memory_space<vmem>>, vector<16xf32>,
    %get3A_271 = vector.shape_cast %get3A_270 : vector<16xf32> to vector<16xf32>
    %get3A_272 = arith.constant 32 : index
    %get3A_273 = tpu.vector_load %arg9[%get3A_272] {strides = array<i32>} : memref<64xf32, #tpu.memory_space<vmem>>, vector<16xf32>,
    %get3A_274 = vector.shape_cast %get3A_273 : vector<16xf32> to vector<16xf32>
    %get3A_275 = arith.constant 32 : index
    %get3A_276 = tpu.vector_load %arg10[%get3A_275] {strides = array<i32>} : memref<64xf32, #tpu.memory_space<vmem>>, vector<16xf32>,
    %get3A_277 = vector.shape_cast %get3A_276 : vector<16xf32> to vector<16xf32>
    %get3A_278 = arith.constant 32 : index
    %get3A_279 = tpu.vector_load %arg11[%get3A_278] {strides = array<i32>} : memref<64xf32, #tpu.memory_space<vmem>>, vector<16xf32>,
    %get3A_280 = vector.shape_cast %get3A_279 : vector<16xf32> to vector<16xf32>
    %max3A_281 = arith.maximumf %get3A_259, %get3A_262 : vector<16xf32>
    %max3A_282 = arith.maximumf %max3A_281, %get3A_265 : vector<16xf32>
    %max3A_283 = arith.maximumf %max3A_282, %get3A_268 : vector<16xf32>
    %max3A_284 = arith.maximumf %max3A_283, %get3A_271 : vector<16xf32>
    %max3A_285 = arith.maximumf %max3A_284, %get3A_274 : vector<16xf32>
    %max3A_286 = arith.maximumf %max3A_285, %get3A_277 : vector<16xf32>
    %max3A_287 = arith.maximumf %max3A_286, %get3A_280 : vector<16xf32>
    %eq3A_288 = arith.cmpf oeq, %get3A_259, %max3A_287 : vector<16xf32>
    %select_n3A_289 = arith.select %eq3A_288, %broadcast_in_dim3A_10, %broadcast_in_dim3A_12 : vector<16xi1>, vector<16xf32>
    %mul3A_290 = arith.constant 1.000000e+30 : f32
    %mul3A_291 = vector.broadcast %mul3A_290 : f32 to vector<16xf32>
    %mul3A_292 = arith.mulf %select_n3A_289, %mul3A_291 : vector<16xf32>
    %sub3A_293 = arith.subf %get3A_259, %mul3A_292 : vector<16xf32>
    %eq3A_294 = arith.cmpf oeq, %get3A_262, %max3A_287 : vector<16xf32>
    %select_n3A_295 = arith.select %eq3A_294, %broadcast_in_dim3A_10, %broadcast_in_dim3A_12 : vector<16xi1>, vector<16xf32>
    %sub3A_296 = arith.subf %broadcast_in_dim3A_10, %select_n3A_289 : vector<16xf32>
    %mul3A_297 = arith.mulf %select_n3A_295, %sub3A_296 : vector<16xf32>
    %mul3A_298 = arith.constant 1.000000e+30 : f32
    %mul3A_299 = vector.broadcast %mul3A_298 : f32 to vector<16xf32>
    %mul3A_300 = arith.mulf %mul3A_297, %mul3A_299 : vector<16xf32>
    %sub3A_301 = arith.subf %get3A_262, %mul3A_300 : vector<16xf32>
    %max3A_302 = arith.maximumf %sub3A_293, %sub3A_301 : vector<16xf32>
    %add3A_303 = arith.addf %select_n3A_289, %mul3A_297 : vector<16xf32>
    %eq3A_304 = arith.cmpf oeq, %get3A_265, %max3A_287 : vector<16xf32>
    %select_n3A_305 = arith.select %eq3A_304, %broadcast_in_dim3A_10, %broadcast_in_dim3A_12 : vector<16xi1>, vector<16xf32>
    %sub3A_306 = arith.subf %broadcast_in_dim3A_10, %add3A_303 : vector<16xf32>
    %mul3A_307 = arith.mulf %select_n3A_305, %sub3A_306 : vector<16xf32>
    %mul3A_308 = arith.constant 1.000000e+30 : f32
    %mul3A_309 = vector.broadcast %mul3A_308 : f32 to vector<16xf32>
    %mul3A_310 = arith.mulf %mul3A_307, %mul3A_309 : vector<16xf32>
    %sub3A_311 = arith.subf %get3A_265, %mul3A_310 : vector<16xf32>
    %max3A_312 = arith.maximumf %max3A_302, %sub3A_311 : vector<16xf32>
    %add3A_313 = arith.addf %add3A_303, %mul3A_307 : vector<16xf32>
    %eq3A_314 = arith.cmpf oeq, %get3A_268, %max3A_287 : vector<16xf32>
    %select_n3A_315 = arith.select %eq3A_314, %broadcast_in_dim3A_10, %broadcast_in_dim3A_12 : vector<16xi1>, vector<16xf32>
    %sub3A_316 = arith.subf %broadcast_in_dim3A_10, %add3A_313 : vector<16xf32>
    %mul3A_317 = arith.mulf %select_n3A_315, %sub3A_316 : vector<16xf32>
    %mul3A_318 = arith.constant 1.000000e+30 : f32
    %mul3A_319 = vector.broadcast %mul3A_318 : f32 to vector<16xf32>
    %mul3A_320 = arith.mulf %mul3A_317, %mul3A_319 : vector<16xf32>
    %sub3A_321 = arith.subf %get3A_268, %mul3A_320 : vector<16xf32>
    %max3A_322 = arith.maximumf %max3A_312, %sub3A_321 : vector<16xf32>
    %add3A_323 = arith.addf %add3A_313, %mul3A_317 : vector<16xf32>
    %eq3A_324 = arith.cmpf oeq, %get3A_271, %max3A_287 : vector<16xf32>
    %select_n3A_325 = arith.select %eq3A_324, %broadcast_in_dim3A_10, %broadcast_in_dim3A_12 : vector<16xi1>, vector<16xf32>
    %sub3A_326 = arith.subf %broadcast_in_dim3A_10, %add3A_323 : vector<16xf32>
    %mul3A_327 = arith.mulf %select_n3A_325, %sub3A_326 : vector<16xf32>
    %mul3A_328 = arith.constant 1.000000e+30 : f32
    %mul3A_329 = vector.broadcast %mul3A_328 : f32 to vector<16xf32>
    %mul3A_330 = arith.mulf %mul3A_327, %mul3A_329 : vector<16xf32>
    %sub3A_331 = arith.subf %get3A_271, %mul3A_330 : vector<16xf32>
    %max3A_332 = arith.maximumf %max3A_322, %sub3A_331 : vector<16xf32>
    %add3A_333 = arith.addf %add3A_323, %mul3A_327 : vector<16xf32>
    %eq3A_334 = arith.cmpf oeq, %get3A_274, %max3A_287 : vector<16xf32>
    %select_n3A_335 = arith.select %eq3A_334, %broadcast_in_dim3A_10, %broadcast_in_dim3A_12 : vector<16xi1>, vector<16xf32>
    %sub3A_336 = arith.subf %broadcast_in_dim3A_10, %add3A_333 : vector<16xf32>
    %mul3A_337 = arith.mulf %select_n3A_335, %sub3A_336 : vector<16xf32>
    %mul3A_338 = arith.constant 1.000000e+30 : f32
    %mul3A_339 = vector.broadcast %mul3A_338 : f32 to vector<16xf32>
    %mul3A_340 = arith.mulf %mul3A_337, %mul3A_339 : vector<16xf32>
    %sub3A_341 = arith.subf %get3A_274, %mul3A_340 : vector<16xf32>
    %max3A_342 = arith.maximumf %max3A_332, %sub3A_341 : vector<16xf32>
    %add3A_343 = arith.addf %add3A_333, %mul3A_337 : vector<16xf32>
    %eq3A_344 = arith.cmpf oeq, %get3A_277, %max3A_287 : vector<16xf32>
    %select_n3A_345 = arith.select %eq3A_344, %broadcast_in_dim3A_10, %broadcast_in_dim3A_12 : vector<16xi1>, vector<16xf32>
    %sub3A_346 = arith.subf %broadcast_in_dim3A_10, %add3A_343 : vector<16xf32>
    %mul3A_347 = arith.mulf %select_n3A_345, %sub3A_346 : vector<16xf32>
    %mul3A_348 = arith.constant 1.000000e+30 : f32
    %mul3A_349 = vector.broadcast %mul3A_348 : f32 to vector<16xf32>
    %mul3A_350 = arith.mulf %mul3A_347, %mul3A_349 : vector<16xf32>
    %sub3A_351 = arith.subf %get3A_277, %mul3A_350 : vector<16xf32>
    %max3A_352 = arith.maximumf %max3A_342, %sub3A_351 : vector<16xf32>
    %add3A_353 = arith.addf %add3A_343, %mul3A_347 : vector<16xf32>
    %eq3A_354 = arith.cmpf oeq, %get3A_280, %max3A_287 : vector<16xf32>
    %select_n3A_355 = arith.select %eq3A_354, %broadcast_in_dim3A_10, %broadcast_in_dim3A_12 : vector<16xi1>, vector<16xf32>
    %sub3A_356 = arith.subf %broadcast_in_dim3A_10, %add3A_353 : vector<16xf32>
    %mul3A_357 = arith.mulf %select_n3A_355, %sub3A_356 : vector<16xf32>
    %mul3A_358 = arith.constant 1.000000e+30 : f32
    %mul3A_359 = vector.broadcast %mul3A_358 : f32 to vector<16xf32>
    %mul3A_360 = arith.mulf %mul3A_357, %mul3A_359 : vector<16xf32>
    %sub3A_361 = arith.subf %get3A_280, %mul3A_360 : vector<16xf32>
    %max3A_362 = arith.maximumf %max3A_352, %sub3A_361 : vector<16xf32>
    %add3A_363 = arith.addf %add3A_353, %mul3A_357 : vector<16xf32>
    %sub3A_364 = arith.subf %max3A_362, %max3A_287 : vector<16xf32>
    %exp3A_365 = math.exp %sub3A_364 : vector<16xf32>
    %add3A_366 = arith.constant 1.000000e+00 : f32
    %add3A_367 = vector.broadcast %add3A_366 : f32 to vector<16xf32>
    %add3A_368 = arith.addf %add3A_367, %exp3A_365 : vector<16xf32>
    %div3A_369 = arith.constant 1.000000e+00 : f32
    %div3A_370 = vector.broadcast %div3A_369 : f32 to vector<16xf32>
    %div3A_371 = arith.divf %div3A_370, %add3A_368 : vector<16xf32>
    %swap3A_372 = arith.constant 32 : index
    %swap3A_373 = tpu.vector_load %arg12[%swap3A_372] {strides = array<i32>} : memref<64xf32, #tpu.memory_space<vmem>>, vector<16xf32>,
    %swap3A_374 = vector.shape_cast %swap3A_373 : vector<16xf32> to vector<16xf32>
    %swap3A_375 = vector.shape_cast %div3A_371 : vector<16xf32> to vector<16xf32>
    tpu.vector_store %arg12[%swap3A_372], %swap3A_375 {strides = array<i32>} : memref<64xf32, #tpu.memory_space<vmem>>, vector<16xf32>,
    %sub3A_376 = arith.constant 1.000000e+00 : f32
    %sub3A_377 = vector.broadcast %sub3A_376 : f32 to vector<16xf32>
    %sub3A_378 = arith.subf %sub3A_377, %div3A_371 : vector<16xf32>
    %swap3A_379 = arith.constant 32 : index
    %swap3A_380 = tpu.vector_load %arg13[%swap3A_379] {strides = array<i32>} : memref<64xf32, #tpu.memory_space<vmem>>, vector<16xf32>,
    %swap3A_381 = vector.shape_cast %swap3A_380 : vector<16xf32> to vector<16xf32>
    %swap3A_382 = vector.shape_cast %sub3A_378 : vector<16xf32> to vector<16xf32>
    tpu.vector_store %arg13[%swap3A_379], %swap3A_382 {strides = array<i32>} : memref<64xf32, #tpu.memory_space<vmem>>, vector<16xf32>,
    %get3A_383 = arith.constant 48 : index
    %get3A_384 = tpu.vector_load %arg4[%get3A_383] {strides = array<i32>} : memref<64xf32, #tpu.memory_space<vmem>>, vector<16xf32>,
    %get3A_385 = vector.shape_cast %get3A_384 : vector<16xf32> to vector<16xf32>
    %get3A_386 = arith.constant 48 : index
    %get3A_387 = tpu.vector_load %arg5[%get3A_386] {strides = array<i32>} : memref<64xf32, #tpu.memory_space<vmem>>, vector<16xf32>,
    %get3A_388 = vector.shape_cast %get3A_387 : vector<16xf32> to vector<16xf32>
    %get3A_389 = arith.constant 48 : index
    %get3A_390 = tpu.vector_load %arg6[%get3A_389] {strides = array<i32>} : memref<64xf32, #tpu.memory_space<vmem>>, vector<16xf32>,
    %get3A_391 = vector.shape_cast %get3A_390 : vector<16xf32> to vector<16xf32>
    %get3A_392 = arith.constant 48 : index
    %get3A_393 = tpu.vector_load %arg7[%get3A_392] {strides = array<i32>} : memref<64xf32, #tpu.memory_space<vmem>>, vector<16xf32>,
    %get3A_394 = vector.shape_cast %get3A_393 : vector<16xf32> to vector<16xf32>
    %get3A_395 = arith.constant 48 : index
    %get3A_396 = tpu.vector_load %arg8[%get3A_395] {strides = array<i32>} : memref<64xf32, #tpu.memory_space<vmem>>, vector<16xf32>,
    %get3A_397 = vector.shape_cast %get3A_396 : vector<16xf32> to vector<16xf32>
    %get3A_398 = arith.constant 48 : index
    %get3A_399 = tpu.vector_load %arg9[%get3A_398] {strides = array<i32>} : memref<64xf32, #tpu.memory_space<vmem>>, vector<16xf32>,
    %get3A_400 = vector.shape_cast %get3A_399 : vector<16xf32> to vector<16xf32>
    %get3A_401 = arith.constant 48 : index
    %get3A_402 = tpu.vector_load %arg10[%get3A_401] {strides = array<i32>} : memref<64xf32, #tpu.memory_space<vmem>>, vector<16xf32>,
    %get3A_403 = vector.shape_cast %get3A_402 : vector<16xf32> to vector<16xf32>
    %get3A_404 = arith.constant 48 : index
    %get3A_405 = tpu.vector_load %arg11[%get3A_404] {strides = array<i32>} : memref<64xf32, #tpu.memory_space<vmem>>, vector<16xf32>,
    %get3A_406 = vector.shape_cast %get3A_405 : vector<16xf32> to vector<16xf32>
    %max3A_407 = arith.maximumf %get3A_385, %get3A_388 : vector<16xf32>
    %max3A_408 = arith.maximumf %max3A_407, %get3A_391 : vector<16xf32>
    %max3A_409 = arith.maximumf %max3A_408, %get3A_394 : vector<16xf32>
    %max3A_410 = arith.maximumf %max3A_409, %get3A_397 : vector<16xf32>
    %max3A_411 = arith.maximumf %max3A_410, %get3A_400 : vector<16xf32>
    %max3A_412 = arith.maximumf %max3A_411, %get3A_403 : vector<16xf32>
    %max3A_413 = arith.maximumf %max3A_412, %get3A_406 : vector<16xf32>
    %eq3A_414 = arith.cmpf oeq, %get3A_385, %max3A_413 : vector<16xf32>
    %select_n3A_415 = arith.select %eq3A_414, %broadcast_in_dim3A_10, %broadcast_in_dim3A_12 : vector<16xi1>, vector<16xf32>
    %mul3A_416 = arith.constant 1.000000e+30 : f32
    %mul3A_417 = vector.broadcast %mul3A_416 : f32 to vector<16xf32>
    %mul3A_418 = arith.mulf %select_n3A_415, %mul3A_417 : vector<16xf32>
    %sub3A_419 = arith.subf %get3A_385, %mul3A_418 : vector<16xf32>
    %eq3A_420 = arith.cmpf oeq, %get3A_388, %max3A_413 : vector<16xf32>
    %select_n3A_421 = arith.select %eq3A_420, %broadcast_in_dim3A_10, %broadcast_in_dim3A_12 : vector<16xi1>, vector<16xf32>
    %sub3A_422 = arith.subf %broadcast_in_dim3A_10, %select_n3A_415 : vector<16xf32>
    %mul3A_423 = arith.mulf %select_n3A_421, %sub3A_422 : vector<16xf32>
    %mul3A_424 = arith.constant 1.000000e+30 : f32
    %mul3A_425 = vector.broadcast %mul3A_424 : f32 to vector<16xf32>
    %mul3A_426 = arith.mulf %mul3A_423, %mul3A_425 : vector<16xf32>
    %sub3A_427 = arith.subf %get3A_388, %mul3A_426 : vector<16xf32>
    %max3A_428 = arith.maximumf %sub3A_419, %sub3A_427 : vector<16xf32>
    %add3A_429 = arith.addf %select_n3A_415, %mul3A_423 : vector<16xf32>
    %eq3A_430 = arith.cmpf oeq, %get3A_391, %max3A_413 : vector<16xf32>
    %select_n3A_431 = arith.select %eq3A_430, %broadcast_in_dim3A_10, %broadcast_in_dim3A_12 : vector<16xi1>, vector<16xf32>
    %sub3A_432 = arith.subf %broadcast_in_dim3A_10, %add3A_429 : vector<16xf32>
    %mul3A_433 = arith.mulf %select_n3A_431, %sub3A_432 : vector<16xf32>
    %mul3A_434 = arith.constant 1.000000e+30 : f32
    %mul3A_435 = vector.broadcast %mul3A_434 : f32 to vector<16xf32>
    %mul3A_436 = arith.mulf %mul3A_433, %mul3A_435 : vector<16xf32>
    %sub3A_437 = arith.subf %get3A_391, %mul3A_436 : vector<16xf32>
    %max3A_438 = arith.maximumf %max3A_428, %sub3A_437 : vector<16xf32>
    %add3A_439 = arith.addf %add3A_429, %mul3A_433 : vector<16xf32>
    %eq3A_440 = arith.cmpf oeq, %get3A_394, %max3A_413 : vector<16xf32>
    %select_n3A_441 = arith.select %eq3A_440, %broadcast_in_dim3A_10, %broadcast_in_dim3A_12 : vector<16xi1>, vector<16xf32>
    %sub3A_442 = arith.subf %broadcast_in_dim3A_10, %add3A_439 : vector<16xf32>
    %mul3A_443 = arith.mulf %select_n3A_441, %sub3A_442 : vector<16xf32>
    %mul3A_444 = arith.constant 1.000000e+30 : f32
    %mul3A_445 = vector.broadcast %mul3A_444 : f32 to vector<16xf32>
    %mul3A_446 = arith.mulf %mul3A_443, %mul3A_445 : vector<16xf32>
    %sub3A_447 = arith.subf %get3A_394, %mul3A_446 : vector<16xf32>
    %max3A_448 = arith.maximumf %max3A_438, %sub3A_447 : vector<16xf32>
    %add3A_449 = arith.addf %add3A_439, %mul3A_443 : vector<16xf32>
    %eq3A_450 = arith.cmpf oeq, %get3A_397, %max3A_413 : vector<16xf32>
    %select_n3A_451 = arith.select %eq3A_450, %broadcast_in_dim3A_10, %broadcast_in_dim3A_12 : vector<16xi1>, vector<16xf32>
    %sub3A_452 = arith.subf %broadcast_in_dim3A_10, %add3A_449 : vector<16xf32>
    %mul3A_453 = arith.mulf %select_n3A_451, %sub3A_452 : vector<16xf32>
    %mul3A_454 = arith.constant 1.000000e+30 : f32
    %mul3A_455 = vector.broadcast %mul3A_454 : f32 to vector<16xf32>
    %mul3A_456 = arith.mulf %mul3A_453, %mul3A_455 : vector<16xf32>
    %sub3A_457 = arith.subf %get3A_397, %mul3A_456 : vector<16xf32>
    %max3A_458 = arith.maximumf %max3A_448, %sub3A_457 : vector<16xf32>
    %add3A_459 = arith.addf %add3A_449, %mul3A_453 : vector<16xf32>
    %eq3A_460 = arith.cmpf oeq, %get3A_400, %max3A_413 : vector<16xf32>
    %select_n3A_461 = arith.select %eq3A_460, %broadcast_in_dim3A_10, %broadcast_in_dim3A_12 : vector<16xi1>, vector<16xf32>
    %sub3A_462 = arith.subf %broadcast_in_dim3A_10, %add3A_459 : vector<16xf32>
    %mul3A_463 = arith.mulf %select_n3A_461, %sub3A_462 : vector<16xf32>
    %mul3A_464 = arith.constant 1.000000e+30 : f32
    %mul3A_465 = vector.broadcast %mul3A_464 : f32 to vector<16xf32>
    %mul3A_466 = arith.mulf %mul3A_463, %mul3A_465 : vector<16xf32>
    %sub3A_467 = arith.subf %get3A_400, %mul3A_466 : vector<16xf32>
    %max3A_468 = arith.maximumf %max3A_458, %sub3A_467 : vector<16xf32>
    %add3A_469 = arith.addf %add3A_459, %mul3A_463 : vector<16xf32>
    %eq3A_470 = arith.cmpf oeq, %get3A_403, %max3A_413 : vector<16xf32>
    %select_n3A_471 = arith.select %eq3A_470, %broadcast_in_dim3A_10, %broadcast_in_dim3A_12 : vector<16xi1>, vector<16xf32>
    %sub3A_472 = arith.subf %broadcast_in_dim3A_10, %add3A_469 : vector<16xf32>
    %mul3A_473 = arith.mulf %select_n3A_471, %sub3A_472 : vector<16xf32>
    %mul3A_474 = arith.constant 1.000000e+30 : f32
    %mul3A_475 = vector.broadcast %mul3A_474 : f32 to vector<16xf32>
    %mul3A_476 = arith.mulf %mul3A_473, %mul3A_475 : vector<16xf32>
    %sub3A_477 = arith.subf %get3A_403, %mul3A_476 : vector<16xf32>
    %max3A_478 = arith.maximumf %max3A_468, %sub3A_477 : vector<16xf32>
    %add3A_479 = arith.addf %add3A_469, %mul3A_473 : vector<16xf32>
    %eq3A_480 = arith.cmpf oeq, %get3A_406, %max3A_413 : vector<16xf32>
    %select_n3A_481 = arith.select %eq3A_480, %broadcast_in_dim3A_10, %broadcast_in_dim3A_12 : vector<16xi1>, vector<16xf32>
    %sub3A_482 = arith.subf %broadcast_in_dim3A_10, %add3A_479 : vector<16xf32>
    %mul3A_483 = arith.mulf %select_n3A_481, %sub3A_482 : vector<16xf32>
    %mul3A_484 = arith.constant 1.000000e+30 : f32
    %mul3A_485 = vector.broadcast %mul3A_484 : f32 to vector<16xf32>
    %mul3A_486 = arith.mulf %mul3A_483, %mul3A_485 : vector<16xf32>
    %sub3A_487 = arith.subf %get3A_406, %mul3A_486 : vector<16xf32>
    %max3A_488 = arith.maximumf %max3A_478, %sub3A_487 : vector<16xf32>
    %add3A_489 = arith.addf %add3A_479, %mul3A_483 : vector<16xf32>
    %sub3A_490 = arith.subf %max3A_488, %max3A_413 : vector<16xf32>
    %exp3A_491 = math.exp %sub3A_490 : vector<16xf32>
    %add3A_492 = arith.constant 1.000000e+00 : f32
    %add3A_493 = vector.broadcast %add3A_492 : f32 to vector<16xf32>
    %add3A_494 = arith.addf %add3A_493, %exp3A_491 : vector<16xf32>
    %div3A_495 = arith.constant 1.000000e+00 : f32
    %div3A_496 = vector.broadcast %div3A_495 : f32 to vector<16xf32>
    %div3A_497 = arith.divf %div3A_496, %add3A_494 : vector<16xf32>
    %swap3A_498 = arith.constant 48 : index
    %swap3A_499 = tpu.vector_load %arg12[%swap3A_498] {strides = array<i32>} : memref<64xf32, #tpu.memory_space<vmem>>, vector<16xf32>,
    %swap3A_500 = vector.shape_cast %swap3A_499 : vector<16xf32> to vector<16xf32>
    %swap3A_501 = vector.shape_cast %div3A_497 : vector<16xf32> to vector<16xf32>
    tpu.vector_store %arg12[%swap3A_498], %swap3A_501 {strides = array<i32>} : memref<64xf32, #tpu.memory_space<vmem>>, vector<16xf32>,
    %sub3A_502 = arith.constant 1.000000e+00 : f32
    %sub3A_503 = vector.broadcast %sub3A_502 : f32 to vector<16xf32>
    %sub3A_504 = arith.subf %sub3A_503, %div3A_497 : vector<16xf32>
    %swap3A_505 = arith.constant 48 : index
    %swap3A_506 = tpu.vector_load %arg13[%swap3A_505] {strides = array<i32>} : memref<64xf32, #tpu.memory_space<vmem>>, vector<16xf32>,
    %swap3A_507 = vector.shape_cast %swap3A_506 : vector<16xf32> to vector<16xf32>
    %swap3A_508 = vector.shape_cast %sub3A_504 : vector<16xf32> to vector<16xf32>
    tpu.vector_store %arg13[%swap3A_505], %swap3A_508 {strides = array<i32>} : memref<64xf32, #tpu.memory_space<vmem>>, vector<16xf32>,
    %run_scoped3A_509 = arith.constant 0 : i32
    "tpu.region"() ({
      %run_scoped3A_511 = tpu.sem_alloc : memref<!tpu.dma_semaphore, #tpu.memory_space<semaphore_mem>>
      %dma_start3A = tpu.memref_slice %arg3[%run_scoped3A_509, %mul3A_2] : memref<2x2048xf32, #tpu.memory_space<hbm>> -> memref<1x64xf32, #tpu.memory_space<hbm>>
      %dma_start3A_512 = tpu.memref_squeeze %dma_start3A : memref<1x64xf32, #tpu.memory_space<hbm>> -> memref<64xf32, #tpu.memory_space<hbm>>
      %dma_start3A_513 = tpu.memref_slice %arg3[%run_scoped3A_509, %mul3A_2] : memref<2x2048xf32, #tpu.memory_space<hbm>> -> memref<1x64xf32, #tpu.memory_space<hbm>>
      %dma_start3A_514 = tpu.memref_squeeze %dma_start3A_513 : memref<1x64xf32, #tpu.memory_space<hbm>> -> memref<64xf32, #tpu.memory_space<hbm>>
      tpu.enqueue_dma source(%arg12 : memref<64xf32, #tpu.memory_space<vmem>>) target(%dma_start3A_514 : memref<64xf32, #tpu.memory_space<hbm>>) target_semaphore(%run_scoped3A_511 : memref<!tpu.dma_semaphore, #tpu.memory_space<semaphore_mem>>)
      %dma_wait3A = tpu.memref_slice %arg3[%run_scoped3A_509, %mul3A_2] : memref<2x2048xf32, #tpu.memory_space<hbm>> -> memref<1x64xf32, #tpu.memory_space<hbm>>
      %dma_wait3A_515 = tpu.memref_squeeze %dma_wait3A : memref<1x64xf32, #tpu.memory_space<hbm>> -> memref<64xf32, #tpu.memory_space<hbm>>
      %dma_wait3A_516 = tpu.memref_slice %arg3[%run_scoped3A_509, %mul3A_2] : memref<2x2048xf32, #tpu.memory_space<hbm>> -> memref<1x64xf32, #tpu.memory_space<hbm>>
      %dma_wait3A_517 = tpu.memref_squeeze %dma_wait3A_516 : memref<1x64xf32, #tpu.memory_space<hbm>> -> memref<64xf32, #tpu.memory_space<hbm>>
      tpu.wait_dma2 semaphore(%run_scoped3A_511 : memref<!tpu.dma_semaphore, #tpu.memory_space<semaphore_mem>>) src(%arg12 : memref<64xf32, #tpu.memory_space<vmem>>) dst(%dma_wait3A_517 : memref<64xf32, #tpu.memory_space<hbm>>)
      tpu.yield
    }) : () -> ()
    %run_scoped3A_510 = arith.constant 1 : i32
    "tpu.region"() ({
      %run_scoped3A_511 = tpu.sem_alloc : memref<!tpu.dma_semaphore, #tpu.memory_space<semaphore_mem>>
      %dma_start3A = tpu.memref_slice %arg3[%run_scoped3A_510, %mul3A_2] : memref<2x2048xf32, #tpu.memory_space<hbm>> -> memref<1x64xf32, #tpu.memory_space<hbm>>
      %dma_start3A_512 = tpu.memref_squeeze %dma_start3A : memref<1x64xf32, #tpu.memory_space<hbm>> -> memref<64xf32, #tpu.memory_space<hbm>>
      %dma_start3A_513 = tpu.memref_slice %arg3[%run_scoped3A_510, %mul3A_2] : memref<2x2048xf32, #tpu.memory_space<hbm>> -> memref<1x64xf32, #tpu.memory_space<hbm>>
      %dma_start3A_514 = tpu.memref_squeeze %dma_start3A_513 : memref<1x64xf32, #tpu.memory_space<hbm>> -> memref<64xf32, #tpu.memory_space<hbm>>
      tpu.enqueue_dma source(%arg13 : memref<64xf32, #tpu.memory_space<vmem>>) target(%dma_start3A_514 : memref<64xf32, #tpu.memory_space<hbm>>) target_semaphore(%run_scoped3A_511 : memref<!tpu.dma_semaphore, #tpu.memory_space<semaphore_mem>>)
      %dma_wait3A = tpu.memref_slice %arg3[%run_scoped3A_510, %mul3A_2] : memref<2x2048xf32, #tpu.memory_space<hbm>> -> memref<1x64xf32, #tpu.memory_space<hbm>>
      %dma_wait3A_515 = tpu.memref_squeeze %dma_wait3A : memref<1x64xf32, #tpu.memory_space<hbm>> -> memref<64xf32, #tpu.memory_space<hbm>>
      %dma_wait3A_516 = tpu.memref_slice %arg3[%run_scoped3A_510, %mul3A_2] : memref<2x2048xf32, #tpu.memory_space<hbm>> -> memref<1x64xf32, #tpu.memory_space<hbm>>
      %dma_wait3A_517 = tpu.memref_squeeze %dma_wait3A_516 : memref<1x64xf32, #tpu.memory_space<hbm>> -> memref<64xf32, #tpu.memory_space<hbm>>
      tpu.wait_dma2 semaphore(%run_scoped3A_511 : memref<!tpu.dma_semaphore, #tpu.memory_space<semaphore_mem>>) src(%arg13 : memref<64xf32, #tpu.memory_space<vmem>>) dst(%dma_wait3A_517 : memref<64xf32, #tpu.memory_space<hbm>>)
      tpu.yield
    }) : () -> ()
    return
  }
}

module attributes {stable_mosaic.version = 14 : i64} {
  func.func @_router_body(%arg0: memref<2048x768xf32, #tpu.memory_space<vmem>>, %arg1: memref<768x8xf32, #tpu.memory_space<vmem>>, %arg2: memref<1x8xf32, #tpu.memory_space<vmem>>, %arg3: memref<8x2048xf32, #tpu.memory_space<vmem>>, %arg4: memref<2048x8xf32, #tpu.memory_space<vmem>>, %arg5: memref<8x768xf32, #tpu.memory_space<vmem>>) attributes {dimension_semantics = [], scalar_prefetch = 0 : i64, scratch_operands = 0 : i64, tpu.core_type = #tpu.core_type<tc>} {
    %get3A = arith.constant 0 : index
    %get3A_0 = arith.constant 0 : index
    %get3A_1 = vector.load %arg0[%get3A, %get3A_0] : memref<2048x768xf32, #tpu.memory_space<vmem>>, vector<2048x768xf32>
    %get3A_2 = arith.constant 0 : index
    %get3A_3 = arith.constant 0 : index
    %get3A_4 = vector.load %arg1[%get3A_2, %get3A_3] : memref<768x8xf32, #tpu.memory_space<vmem>>, vector<768x8xf32>
    %dot_general3A = arith.constant dense<0.000000e+00> : vector<2048x8xf32>
    %dot_general3A_5 = tpu.matmul %get3A_1, %get3A_4, %dot_general3A {dimension_numbers = #tpu.dot_dimension_numbers<[1], [0], [0], [1], [0, 0, 1, 1], [], []>, transpose_lhs_hint = false} : vector<2048x768xf32>, vector<768x8xf32>, vector<2048x8xf32> -> vector<2048x8xf32>
    %get3A_6 = arith.constant 0 : index
    %get3A_7 = arith.constant 0 : index
    %get3A_8 = vector.load %arg2[%get3A_6, %get3A_7] : memref<1x8xf32, #tpu.memory_space<vmem>>, vector<1x8xf32>
    %add3A = vector.broadcast %get3A_8 : vector<1x8xf32> to vector<2048x8xf32>
    %add3A_9 = arith.addf %dot_general3A_5, %add3A : vector<2048x8xf32>
    %get3A_10 = arith.constant 0 : index
    %get3A_11 = arith.constant 0 : index
    %get3A_12 = vector.load %arg1[%get3A_10, %get3A_11] : memref<768x8xf32, #tpu.memory_space<vmem>>, vector<768x8xf32>
    %dot_general3A_13 = arith.constant dense<0.000000e+00> : vector<8x2048xf32>
    %dot_general3A_14 = tpu.matmul %get3A_12, %get3A_1, %dot_general3A_13 {dimension_numbers = #tpu.dot_dimension_numbers<[0], [1], [1], [0], [0, 1, 1, 0], [], []>, transpose_lhs_hint = false} : vector<768x8xf32>, vector<2048x768xf32>, vector<8x2048xf32> -> vector<8x2048xf32>
    %get3A_15 = arith.constant 0 : index
    %get3A_16 = arith.constant 0 : index
    %get3A_17 = vector.load %arg2[%get3A_15, %get3A_16] : memref<1x8xf32, #tpu.memory_space<vmem>>, vector<1x8xf32>
    %reshape3A = vector.shape_cast %get3A_17 : vector<1x8xf32> to vector<8x1xf32>
    %add3A_18 = vector.broadcast %reshape3A : vector<8x1xf32> to vector<8x2048xf32>
    %add3A_19 = arith.addf %dot_general3A_14, %add3A_18 : vector<8x2048xf32>
    %swap3A = arith.constant 0 : index
    %swap3A_20 = arith.constant 0 : index
    %swap3A_21 = vector.load %arg3[%swap3A, %swap3A_20] : memref<8x2048xf32, #tpu.memory_space<vmem>>, vector<8x2048xf32>
    tpu.vector_store %arg3[%swap3A, %swap3A_20], %add3A_19 {strides = array<i32>} : memref<8x2048xf32, #tpu.memory_space<vmem>>, vector<8x2048xf32>,
    %iota3A = tpu.iota {dimensions = array<i32: 1>} : vector<2048x8xi32>
    %broadcast_in_dim3A = arith.constant 0.000000e+00 : f32
    %broadcast_in_dim3A_22 = vector.broadcast %broadcast_in_dim3A : f32 to vector<2048x8xf32>
    %slice3A = vector.extract_strided_slice %add3A_9 {offsets = [0, 0], sizes = [2048, 1], strides = [1, 1]} : vector<2048x8xf32> to vector<2048x1xf32>
    %gt3A = vector.broadcast %slice3A : vector<2048x1xf32> to vector<2048x8xf32>
    %gt3A_23 = arith.cmpf ogt, %gt3A, %add3A_9 : vector<2048x8xf32>
    %convert_element_type3A = arith.extui %gt3A_23 : vector<2048x8xi1> to vector<2048x8xi32>
    %convert_element_type3A_24 = arith.sitofp %convert_element_type3A : vector<2048x8xi32> to vector<2048x8xf32>
    %eq3A = vector.broadcast %slice3A : vector<2048x1xf32> to vector<2048x8xf32>
    %eq3A_25 = arith.cmpf oeq, %eq3A, %add3A_9 : vector<2048x8xf32>
    %gt3A_26 = arith.constant 0 : i32
    %gt3A_27 = vector.broadcast %gt3A_26 : i32 to vector<2048x8xi32>
    %gt3A_28 = arith.cmpi sgt, %iota3A, %gt3A_27 : vector<2048x8xi32>
    %and3A = arith.andi %eq3A_25, %gt3A_28 : vector<2048x8xi1>
    %convert_element_type3A_29 = arith.extui %and3A : vector<2048x8xi1> to vector<2048x8xi32>
    %convert_element_type3A_30 = arith.sitofp %convert_element_type3A_29 : vector<2048x8xi32> to vector<2048x8xf32>
    %add3A_31 = arith.addf %broadcast_in_dim3A_22, %convert_element_type3A_24 : vector<2048x8xf32>
    %add3A_32 = arith.addf %add3A_31, %convert_element_type3A_30 : vector<2048x8xf32>
    %slice3A_33 = vector.extract_strided_slice %add3A_9 {offsets = [0, 1], sizes = [2048, 1], strides = [1, 1]} : vector<2048x8xf32> to vector<2048x1xf32>
    %gt3A_34 = vector.broadcast %slice3A_33 : vector<2048x1xf32> to vector<2048x8xf32>
    %gt3A_35 = arith.cmpf ogt, %gt3A_34, %add3A_9 : vector<2048x8xf32>
    %convert_element_type3A_36 = arith.extui %gt3A_35 : vector<2048x8xi1> to vector<2048x8xi32>
    %convert_element_type3A_37 = arith.sitofp %convert_element_type3A_36 : vector<2048x8xi32> to vector<2048x8xf32>
    %eq3A_38 = vector.broadcast %slice3A_33 : vector<2048x1xf32> to vector<2048x8xf32>
    %eq3A_39 = arith.cmpf oeq, %eq3A_38, %add3A_9 : vector<2048x8xf32>
    %gt3A_40 = arith.constant 1 : i32
    %gt3A_41 = vector.broadcast %gt3A_40 : i32 to vector<2048x8xi32>
    %gt3A_42 = arith.cmpi sgt, %iota3A, %gt3A_41 : vector<2048x8xi32>
    %and3A_43 = arith.andi %eq3A_39, %gt3A_42 : vector<2048x8xi1>
    %convert_element_type3A_44 = arith.extui %and3A_43 : vector<2048x8xi1> to vector<2048x8xi32>
    %convert_element_type3A_45 = arith.sitofp %convert_element_type3A_44 : vector<2048x8xi32> to vector<2048x8xf32>
    %add3A_46 = arith.addf %add3A_32, %convert_element_type3A_37 : vector<2048x8xf32>
    %add3A_47 = arith.addf %add3A_46, %convert_element_type3A_45 : vector<2048x8xf32>
    %slice3A_48 = vector.extract_strided_slice %add3A_9 {offsets = [0, 2], sizes = [2048, 1], strides = [1, 1]} : vector<2048x8xf32> to vector<2048x1xf32>
    %gt3A_49 = vector.broadcast %slice3A_48 : vector<2048x1xf32> to vector<2048x8xf32>
    %gt3A_50 = arith.cmpf ogt, %gt3A_49, %add3A_9 : vector<2048x8xf32>
    %convert_element_type3A_51 = arith.extui %gt3A_50 : vector<2048x8xi1> to vector<2048x8xi32>
    %convert_element_type3A_52 = arith.sitofp %convert_element_type3A_51 : vector<2048x8xi32> to vector<2048x8xf32>
    %eq3A_53 = vector.broadcast %slice3A_48 : vector<2048x1xf32> to vector<2048x8xf32>
    %eq3A_54 = arith.cmpf oeq, %eq3A_53, %add3A_9 : vector<2048x8xf32>
    %gt3A_55 = arith.constant 2 : i32
    %gt3A_56 = vector.broadcast %gt3A_55 : i32 to vector<2048x8xi32>
    %gt3A_57 = arith.cmpi sgt, %iota3A, %gt3A_56 : vector<2048x8xi32>
    %and3A_58 = arith.andi %eq3A_54, %gt3A_57 : vector<2048x8xi1>
    %convert_element_type3A_59 = arith.extui %and3A_58 : vector<2048x8xi1> to vector<2048x8xi32>
    %convert_element_type3A_60 = arith.sitofp %convert_element_type3A_59 : vector<2048x8xi32> to vector<2048x8xf32>
    %add3A_61 = arith.addf %add3A_47, %convert_element_type3A_52 : vector<2048x8xf32>
    %add3A_62 = arith.addf %add3A_61, %convert_element_type3A_60 : vector<2048x8xf32>
    %slice3A_63 = vector.extract_strided_slice %add3A_9 {offsets = [0, 3], sizes = [2048, 1], strides = [1, 1]} : vector<2048x8xf32> to vector<2048x1xf32>
    %gt3A_64 = vector.broadcast %slice3A_63 : vector<2048x1xf32> to vector<2048x8xf32>
    %gt3A_65 = arith.cmpf ogt, %gt3A_64, %add3A_9 : vector<2048x8xf32>
    %convert_element_type3A_66 = arith.extui %gt3A_65 : vector<2048x8xi1> to vector<2048x8xi32>
    %convert_element_type3A_67 = arith.sitofp %convert_element_type3A_66 : vector<2048x8xi32> to vector<2048x8xf32>
    %eq3A_68 = vector.broadcast %slice3A_63 : vector<2048x1xf32> to vector<2048x8xf32>
    %eq3A_69 = arith.cmpf oeq, %eq3A_68, %add3A_9 : vector<2048x8xf32>
    %gt3A_70 = arith.constant 3 : i32
    %gt3A_71 = vector.broadcast %gt3A_70 : i32 to vector<2048x8xi32>
    %gt3A_72 = arith.cmpi sgt, %iota3A, %gt3A_71 : vector<2048x8xi32>
    %and3A_73 = arith.andi %eq3A_69, %gt3A_72 : vector<2048x8xi1>
    %convert_element_type3A_74 = arith.extui %and3A_73 : vector<2048x8xi1> to vector<2048x8xi32>
    %convert_element_type3A_75 = arith.sitofp %convert_element_type3A_74 : vector<2048x8xi32> to vector<2048x8xf32>
    %add3A_76 = arith.addf %add3A_62, %convert_element_type3A_67 : vector<2048x8xf32>
    %add3A_77 = arith.addf %add3A_76, %convert_element_type3A_75 : vector<2048x8xf32>
    %slice3A_78 = vector.extract_strided_slice %add3A_9 {offsets = [0, 4], sizes = [2048, 1], strides = [1, 1]} : vector<2048x8xf32> to vector<2048x1xf32>
    %gt3A_79 = vector.broadcast %slice3A_78 : vector<2048x1xf32> to vector<2048x8xf32>
    %gt3A_80 = arith.cmpf ogt, %gt3A_79, %add3A_9 : vector<2048x8xf32>
    %convert_element_type3A_81 = arith.extui %gt3A_80 : vector<2048x8xi1> to vector<2048x8xi32>
    %convert_element_type3A_82 = arith.sitofp %convert_element_type3A_81 : vector<2048x8xi32> to vector<2048x8xf32>
    %eq3A_83 = vector.broadcast %slice3A_78 : vector<2048x1xf32> to vector<2048x8xf32>
    %eq3A_84 = arith.cmpf oeq, %eq3A_83, %add3A_9 : vector<2048x8xf32>
    %gt3A_85 = arith.constant 4 : i32
    %gt3A_86 = vector.broadcast %gt3A_85 : i32 to vector<2048x8xi32>
    %gt3A_87 = arith.cmpi sgt, %iota3A, %gt3A_86 : vector<2048x8xi32>
    %and3A_88 = arith.andi %eq3A_84, %gt3A_87 : vector<2048x8xi1>
    %convert_element_type3A_89 = arith.extui %and3A_88 : vector<2048x8xi1> to vector<2048x8xi32>
    %convert_element_type3A_90 = arith.sitofp %convert_element_type3A_89 : vector<2048x8xi32> to vector<2048x8xf32>
    %add3A_91 = arith.addf %add3A_77, %convert_element_type3A_82 : vector<2048x8xf32>
    %add3A_92 = arith.addf %add3A_91, %convert_element_type3A_90 : vector<2048x8xf32>
    %slice3A_93 = vector.extract_strided_slice %add3A_9 {offsets = [0, 5], sizes = [2048, 1], strides = [1, 1]} : vector<2048x8xf32> to vector<2048x1xf32>
    %gt3A_94 = vector.broadcast %slice3A_93 : vector<2048x1xf32> to vector<2048x8xf32>
    %gt3A_95 = arith.cmpf ogt, %gt3A_94, %add3A_9 : vector<2048x8xf32>
    %convert_element_type3A_96 = arith.extui %gt3A_95 : vector<2048x8xi1> to vector<2048x8xi32>
    %convert_element_type3A_97 = arith.sitofp %convert_element_type3A_96 : vector<2048x8xi32> to vector<2048x8xf32>
    %eq3A_98 = vector.broadcast %slice3A_93 : vector<2048x1xf32> to vector<2048x8xf32>
    %eq3A_99 = arith.cmpf oeq, %eq3A_98, %add3A_9 : vector<2048x8xf32>
    %gt3A_100 = arith.constant 5 : i32
    %gt3A_101 = vector.broadcast %gt3A_100 : i32 to vector<2048x8xi32>
    %gt3A_102 = arith.cmpi sgt, %iota3A, %gt3A_101 : vector<2048x8xi32>
    %and3A_103 = arith.andi %eq3A_99, %gt3A_102 : vector<2048x8xi1>
    %convert_element_type3A_104 = arith.extui %and3A_103 : vector<2048x8xi1> to vector<2048x8xi32>
    %convert_element_type3A_105 = arith.sitofp %convert_element_type3A_104 : vector<2048x8xi32> to vector<2048x8xf32>
    %add3A_106 = arith.addf %add3A_92, %convert_element_type3A_97 : vector<2048x8xf32>
    %add3A_107 = arith.addf %add3A_106, %convert_element_type3A_105 : vector<2048x8xf32>
    %slice3A_108 = vector.extract_strided_slice %add3A_9 {offsets = [0, 6], sizes = [2048, 1], strides = [1, 1]} : vector<2048x8xf32> to vector<2048x1xf32>
    %gt3A_109 = vector.broadcast %slice3A_108 : vector<2048x1xf32> to vector<2048x8xf32>
    %gt3A_110 = arith.cmpf ogt, %gt3A_109, %add3A_9 : vector<2048x8xf32>
    %convert_element_type3A_111 = arith.extui %gt3A_110 : vector<2048x8xi1> to vector<2048x8xi32>
    %convert_element_type3A_112 = arith.sitofp %convert_element_type3A_111 : vector<2048x8xi32> to vector<2048x8xf32>
    %eq3A_113 = vector.broadcast %slice3A_108 : vector<2048x1xf32> to vector<2048x8xf32>
    %eq3A_114 = arith.cmpf oeq, %eq3A_113, %add3A_9 : vector<2048x8xf32>
    %gt3A_115 = arith.constant 6 : i32
    %gt3A_116 = vector.broadcast %gt3A_115 : i32 to vector<2048x8xi32>
    %gt3A_117 = arith.cmpi sgt, %iota3A, %gt3A_116 : vector<2048x8xi32>
    %and3A_118 = arith.andi %eq3A_114, %gt3A_117 : vector<2048x8xi1>
    %convert_element_type3A_119 = arith.extui %and3A_118 : vector<2048x8xi1> to vector<2048x8xi32>
    %convert_element_type3A_120 = arith.sitofp %convert_element_type3A_119 : vector<2048x8xi32> to vector<2048x8xf32>
    %add3A_121 = arith.addf %add3A_107, %convert_element_type3A_112 : vector<2048x8xf32>
    %add3A_122 = arith.addf %add3A_121, %convert_element_type3A_120 : vector<2048x8xf32>
    %slice3A_123 = vector.extract_strided_slice %add3A_9 {offsets = [0, 7], sizes = [2048, 1], strides = [1, 1]} : vector<2048x8xf32> to vector<2048x1xf32>
    %gt3A_124 = vector.broadcast %slice3A_123 : vector<2048x1xf32> to vector<2048x8xf32>
    %gt3A_125 = arith.cmpf ogt, %gt3A_124, %add3A_9 : vector<2048x8xf32>
    %convert_element_type3A_126 = arith.extui %gt3A_125 : vector<2048x8xi1> to vector<2048x8xi32>
    %convert_element_type3A_127 = arith.sitofp %convert_element_type3A_126 : vector<2048x8xi32> to vector<2048x8xf32>
    %eq3A_128 = vector.broadcast %slice3A_123 : vector<2048x1xf32> to vector<2048x8xf32>
    %eq3A_129 = arith.cmpf oeq, %eq3A_128, %add3A_9 : vector<2048x8xf32>
    %gt3A_130 = arith.constant 7 : i32
    %gt3A_131 = vector.broadcast %gt3A_130 : i32 to vector<2048x8xi32>
    %gt3A_132 = arith.cmpi sgt, %iota3A, %gt3A_131 : vector<2048x8xi32>
    %and3A_133 = arith.andi %eq3A_129, %gt3A_132 : vector<2048x8xi1>
    %convert_element_type3A_134 = arith.extui %and3A_133 : vector<2048x8xi1> to vector<2048x8xi32>
    %convert_element_type3A_135 = arith.sitofp %convert_element_type3A_134 : vector<2048x8xi32> to vector<2048x8xf32>
    %add3A_136 = arith.addf %add3A_122, %convert_element_type3A_127 : vector<2048x8xf32>
    %add3A_137 = arith.addf %add3A_136, %convert_element_type3A_135 : vector<2048x8xf32>
    %lt3A = arith.constant 2.000000e+00 : f32
    %lt3A_138 = vector.broadcast %lt3A : f32 to vector<2048x8xf32>
    %lt3A_139 = arith.cmpf olt, %add3A_137, %lt3A_138 : vector<2048x8xf32>
    %convert_element_type3A_140 = arith.extui %lt3A_139 : vector<2048x8xi1> to vector<2048x8xi32>
    %convert_element_type3A_141 = arith.sitofp %convert_element_type3A_140 : vector<2048x8xi32> to vector<2048x8xf32>
    %swap3A_142 = arith.constant 0 : index
    %swap3A_143 = arith.constant 0 : index
    %swap3A_144 = vector.load %arg4[%swap3A_142, %swap3A_143] : memref<2048x8xf32, #tpu.memory_space<vmem>>, vector<2048x8xf32>
    tpu.vector_store %arg4[%swap3A_142, %swap3A_143], %convert_element_type3A_141 {strides = array<i32>} : memref<2048x8xf32, #tpu.memory_space<vmem>>, vector<2048x8xf32>,
    %dot_general3A_145 = arith.constant dense<0.000000e+00> : vector<8x768xf32>
    %dot_general3A_146 = tpu.matmul %convert_element_type3A_141, %get3A_1, %dot_general3A_145 {dimension_numbers = #tpu.dot_dimension_numbers<[0], [0], [1], [1], [0, 1, 1, 1], [], []>, transpose_lhs_hint = false} : vector<2048x8xf32>, vector<2048x768xf32>, vector<8x768xf32> -> vector<8x768xf32>
    %swap3A_147 = arith.constant 0 : index
    %swap3A_148 = arith.constant 0 : index
    %swap3A_149 = vector.load %arg5[%swap3A_147, %swap3A_148] : memref<8x768xf32, #tpu.memory_space<vmem>>, vector<8x768xf32>
    tpu.vector_store %arg5[%swap3A_147, %swap3A_148], %dot_general3A_146 {strides = array<i32>} : memref<8x768xf32, #tpu.memory_space<vmem>>, vector<8x768xf32>,
    return
  }
}

module attributes {stable_mosaic.version = 14 : i64} {
  func.func @_expert_body(%arg0: i32, %arg1: memref<2048x768xf32, #tpu.memory_space<vmem>>, %arg2: memref<1x768x768xf32, #tpu.memory_space<vmem>>, %arg3: memref<8x768xf32, #tpu.memory_space<vmem>>, %arg4: memref<2048x8xf32, #tpu.memory_space<vmem>>, %arg5: memref<8x768xf32, #tpu.memory_space<vmem>>, %arg6: memref<2048x768xf32, #tpu.memory_space<vmem>>, %arg7: memref<1x768xf32, #tpu.memory_space<vmem>>) attributes {dimension_semantics = [#tpu.dimension_semantics<arbitrary>], iteration_bounds = array<i64: 8>, scalar_prefetch = 0 : i64, scratch_operands = 1 : i64, tpu.core_type = #tpu.core_type<tc>, window_params = [{pipeline_mode = #tpu.pipeline_mode<synchronous>, transform_indices = @transform_0, window_bounds = array<i64: 2048, 768>}, {transform_indices = @transform_1, window_bounds = array<i64: 1, 768, 768>}, {pipeline_mode = #tpu.pipeline_mode<synchronous>, transform_indices = @transform_2, window_bounds = array<i64: 8, 768>}, {pipeline_mode = #tpu.pipeline_mode<synchronous>, transform_indices = @transform_3, window_bounds = array<i64: 2048, 8>}, {pipeline_mode = #tpu.pipeline_mode<synchronous>, transform_indices = @transform_4, window_bounds = array<i64: 8, 768>}, {pipeline_mode = #tpu.pipeline_mode<synchronous>, transform_indices = @transform_5, window_bounds = array<i64: 2048, 768>}]} {
    %get3A = arith.constant 0 : index
    %get3A_0 = arith.constant 0 : index
    %get3A_1 = vector.load %arg1[%get3A, %get3A_0] : memref<2048x768xf32, #tpu.memory_space<vmem>>, vector<2048x768xf32>
    %eq3A = arith.constant 0 : i32
    %eq3A_2 = arith.cmpi eq, %arg0, %eq3A : i32
    %convert_element_type3A = arith.extui %eq3A_2 : i1 to i32
    %cond3A = arith.constant 0 : i32
    %cond3A_3 = arith.cmpi ne, %convert_element_type3A, %cond3A : i32
    scf.if %cond3A_3 {
      %broadcast_in_dim3A_76 = arith.constant 0.000000e+00 : f32
      %broadcast_in_dim3A_77 = vector.broadcast %broadcast_in_dim3A_76 : f32 to vector<1x768xf32>
      %swap3A_78 = arith.constant 0 : index
      %swap3A_79 = arith.constant 0 : index
      %swap3A_80 = vector.load %arg7[%swap3A_78, %swap3A_79] : memref<1x768xf32, #tpu.memory_space<vmem>>, vector<1x768xf32>
      tpu.vector_store %arg7[%swap3A_78, %swap3A_79], %broadcast_in_dim3A_77 {strides = array<i32>} : memref<1x768xf32, #tpu.memory_space<vmem>>, vector<1x768xf32>,
    } else {
    }
    %get3A_4 = arith.index_cast %arg0 : i32 to index
    %get3A_5 = arith.constant 0 : index
    %get3A_6 = vector.load %arg5[%get3A_4, %get3A_5] : memref<8x768xf32, #tpu.memory_space<vmem>>, vector<1x768xf32>
    %iota3A = tpu.iota {dimensions = array<i32: 0>} : vector<8x1xi32>
    %get3A_7 = arith.constant 0 : index
    %get3A_8 = arith.constant 0 : index
    %get3A_9 = vector.load %arg3[%get3A_7, %get3A_8] : memref<8x768xf32, #tpu.memory_space<vmem>>, vector<8x768xf32>
    %eq3A_10 = vector.broadcast %arg0 : i32 to vector<8x1xi32>
    %eq3A_11 = arith.cmpi eq, %iota3A, %eq3A_10 : vector<8x1xi32>
    %convert_element_type3A_12 = arith.extui %eq3A_11 : vector<8x1xi1> to vector<8x1xi32>
    %convert_element_type3A_13 = arith.sitofp %convert_element_type3A_12 : vector<8x1xi32> to vector<8x1xf32>
    %mul3A = vector.broadcast %convert_element_type3A_13 : vector<8x1xf32> to vector<8x768xf32>
    %mul3A_14 = arith.mulf %get3A_9, %mul3A : vector<8x768xf32>
    %reduce_sum3A = arith.constant dense<0.000000e+00> : vector<768xf32>
    %reduce_sum3A_15 = vector.multi_reduction <add>, %mul3A_14, %reduce_sum3A [0] : vector<8x768xf32> to vector<768xf32>
    %broadcast_in_dim3A = vector.shape_cast %reduce_sum3A_15 : vector<768xf32> to vector<1x768xf32>
    %get3A_16 = arith.constant 0 : index
    %get3A_17 = arith.constant 0 : index
    %get3A_18 = arith.constant 0 : index
    %get3A_19 = vector.load %arg2[%get3A_16, %get3A_17, %get3A_18] : memref<1x768x768xf32, #tpu.memory_space<vmem>>, vector<1x768x768xf32>
    %get3A_20 = vector.shape_cast %get3A_19 : vector<1x768x768xf32> to vector<768x768xf32>
    %dot_general3A = arith.constant dense<0.000000e+00> : vector<1x768xf32>
    %dot_general3A_21 = tpu.matmul %get3A_6, %get3A_20, %dot_general3A {dimension_numbers = #tpu.dot_dimension_numbers<[1], [0], [0], [1], [0, 0, 1, 1], [], []>, transpose_lhs_hint = false} : vector<1x768xf32>, vector<768x768xf32>, vector<1x768xf32> -> vector<1x768xf32>
    %mul3A_22 = arith.constant 4.8828125E-4 : f32
    %mul3A_23 = vector.broadcast %mul3A_22 : f32 to vector<1x768xf32>
    %mul3A_24 = arith.mulf %dot_general3A_21, %mul3A_23 : vector<1x768xf32>
    %add3A = arith.addf %mul3A_24, %broadcast_in_dim3A : vector<1x768xf32>
    %reduce_max3A = arith.constant dense<0xFF800000> : vector<1xf32>
    %reduce_max3A_25 = vector.multi_reduction <maximumf>, %add3A, %reduce_max3A [1] : vector<1x768xf32> to vector<1xf32>
    %broadcast_in_dim3A_26 = vector.shape_cast %reduce_max3A_25 : vector<1xf32> to vector<1x1xf32>
    %sub3A = vector.broadcast %broadcast_in_dim3A_26 : vector<1x1xf32> to vector<1x768xf32>
    %sub3A_27 = arith.subf %add3A, %sub3A : vector<1x768xf32>
    %exp3A = math.exp %sub3A_27 : vector<1x768xf32>
    %reduce_sum3A_28 = arith.constant dense<0.000000e+00> : vector<1xf32>
    %reduce_sum3A_29 = vector.multi_reduction <add>, %exp3A, %reduce_sum3A_28 [1] : vector<1x768xf32> to vector<1xf32>
    %broadcast_in_dim3A_30 = vector.shape_cast %reduce_sum3A_29 : vector<1xf32> to vector<1x1xf32>
    %div3A = vector.broadcast %broadcast_in_dim3A_30 : vector<1x1xf32> to vector<1x768xf32>
    %div3A_31 = arith.divf %exp3A, %div3A : vector<1x768xf32>
    %get3A_32 = arith.constant 0 : index
    %get3A_33 = arith.constant 0 : index
    %get3A_34 = vector.load %arg7[%get3A_32, %get3A_33] : memref<1x768xf32, #tpu.memory_space<vmem>>, vector<1x768xf32>
    %mul3A_35 = arith.mulf %broadcast_in_dim3A, %div3A_31 : vector<1x768xf32>
    %add3A_36 = arith.addf %get3A_34, %mul3A_35 : vector<1x768xf32>
    %swap3A = arith.constant 0 : index
    %swap3A_37 = arith.constant 0 : index
    %swap3A_38 = vector.load %arg7[%swap3A, %swap3A_37] : memref<1x768xf32, #tpu.memory_space<vmem>>, vector<1x768xf32>
    tpu.vector_store %arg7[%swap3A, %swap3A_37], %add3A_36 {strides = array<i32>} : memref<1x768xf32, #tpu.memory_space<vmem>>, vector<1x768xf32>,
    %iota3A_39 = tpu.iota {dimensions = array<i32: 1>} : vector<2048x8xi32>
    %get3A_40 = arith.constant 0 : index
    %get3A_41 = arith.constant 0 : index
    %get3A_42 = vector.load %arg4[%get3A_40, %get3A_41] : memref<2048x8xf32, #tpu.memory_space<vmem>>, vector<2048x8xf32>
    %eq3A_43 = vector.broadcast %arg0 : i32 to vector<2048x8xi32>
    %eq3A_44 = arith.cmpi eq, %iota3A_39, %eq3A_43 : vector<2048x8xi32>
    %convert_element_type3A_45 = arith.extui %eq3A_44 : vector<2048x8xi1> to vector<2048x8xi32>
    %convert_element_type3A_46 = arith.sitofp %convert_element_type3A_45 : vector<2048x8xi32> to vector<2048x8xf32>
    %mul3A_47 = arith.mulf %get3A_42, %convert_element_type3A_46 : vector<2048x8xf32>
    %reduce_sum3A_48 = arith.constant dense<0.000000e+00> : vector<2048xf32>
    %reduce_sum3A_49 = vector.multi_reduction <add>, %mul3A_47, %reduce_sum3A_48 [1] : vector<2048x8xf32> to vector<2048xf32>
    %broadcast_in_dim3A_50 = vector.shape_cast %reduce_sum3A_49 : vector<2048xf32> to vector<2048x1xf32>
    %get3A_51 = arith.constant 0 : index
    %get3A_52 = arith.constant 0 : index
    %get3A_53 = arith.constant 0 : index
    %get3A_54 = vector.load %arg2[%get3A_51, %get3A_52, %get3A_53] : memref<1x768x768xf32, #tpu.memory_space<vmem>>, vector<1x768x768xf32>
    %get3A_55 = vector.shape_cast %get3A_54 : vector<1x768x768xf32> to vector<768x768xf32>
    %dot_general3A_56 = arith.constant dense<0.000000e+00> : vector<2048x768xf32>
    %dot_general3A_57 = tpu.matmul %get3A_1, %get3A_55, %dot_general3A_56 {dimension_numbers = #tpu.dot_dimension_numbers<[1], [0], [0], [1], [0, 0, 1, 1], [], []>, transpose_lhs_hint = false} : vector<2048x768xf32>, vector<768x768xf32>, vector<2048x768xf32> -> vector<2048x768xf32>
    %mul3A_58 = vector.broadcast %div3A_31 : vector<1x768xf32> to vector<2048x768xf32>
    %mul3A_59 = arith.mulf %dot_general3A_57, %mul3A_58 : vector<2048x768xf32>
    %mul3A_60 = vector.broadcast %broadcast_in_dim3A_50 : vector<2048x1xf32> to vector<2048x768xf32>
    %mul3A_61 = arith.mulf %mul3A_59, %mul3A_60 : vector<2048x768xf32>
    %eq3A_62 = arith.constant 0 : i32
    %eq3A_63 = arith.cmpi eq, %arg0, %eq3A_62 : i32
    %convert_element_type3A_64 = arith.extui %eq3A_63 : i1 to i32
    %cond3A_65 = arith.constant 0 : i32
    %cond3A_66 = arith.cmpi ne, %convert_element_type3A_64, %cond3A_65 : i32
    scf.if %cond3A_66 {
      %swap3A_76 = arith.constant 0 : index
      %swap3A_77 = arith.constant 0 : index
      %swap3A_78 = vector.load %arg6[%swap3A_76, %swap3A_77] : memref<2048x768xf32, #tpu.memory_space<vmem>>, vector<2048x768xf32>
      tpu.vector_store %arg6[%swap3A_76, %swap3A_77], %mul3A_61 {strides = array<i32>} : memref<2048x768xf32, #tpu.memory_space<vmem>>, vector<2048x768xf32>,
    } else {
    }
    %ne3A = arith.constant 0 : i32
    %ne3A_67 = arith.cmpi ne, %arg0, %ne3A : i32
    %convert_element_type3A_68 = arith.extui %ne3A_67 : i1 to i32
    %cond3A_69 = arith.constant 0 : i32
    %cond3A_70 = arith.cmpi ne, %convert_element_type3A_68, %cond3A_69 : i32
    scf.if %cond3A_70 {
      %get3A_76 = arith.constant 0 : index
      %get3A_77 = arith.constant 0 : index
      %get3A_78 = vector.load %arg6[%get3A_76, %get3A_77] : memref<2048x768xf32, #tpu.memory_space<vmem>>, vector<2048x768xf32>
      %add3A_79 = arith.addf %get3A_78, %mul3A_61 : vector<2048x768xf32>
      %swap3A_80 = arith.constant 0 : index
      %swap3A_81 = arith.constant 0 : index
      %swap3A_82 = vector.load %arg6[%swap3A_80, %swap3A_81] : memref<2048x768xf32, #tpu.memory_space<vmem>>, vector<2048x768xf32>
      tpu.vector_store %arg6[%swap3A_80, %swap3A_81], %add3A_79 {strides = array<i32>} : memref<2048x768xf32, #tpu.memory_space<vmem>>, vector<2048x768xf32>,
    } else {
    }
    %eq3A_71 = arith.constant 7 : i32
    %eq3A_72 = arith.cmpi eq, %arg0, %eq3A_71 : i32
    %convert_element_type3A_73 = arith.extui %eq3A_72 : i1 to i32
    %cond3A_74 = arith.constant 0 : i32
    %cond3A_75 = arith.cmpi ne, %convert_element_type3A_73, %cond3A_74 : i32
    scf.if %cond3A_75 {
      %get3A_76 = arith.constant 0 : index
      %get3A_77 = arith.constant 0 : index
      %get3A_78 = vector.load %arg6[%get3A_76, %get3A_77] : memref<2048x768xf32, #tpu.memory_space<vmem>>, vector<2048x768xf32>
      %get3A_79 = arith.constant 0 : index
      %get3A_80 = arith.constant 0 : index
      %get3A_81 = vector.load %arg7[%get3A_79, %get3A_80] : memref<1x768xf32, #tpu.memory_space<vmem>>, vector<1x768xf32>
      %add3A_82 = vector.broadcast %get3A_81 : vector<1x768xf32> to vector<2048x768xf32>
      %add3A_83 = arith.addf %get3A_78, %add3A_82 : vector<2048x768xf32>
      %swap3A_84 = arith.constant 0 : index
      %swap3A_85 = arith.constant 0 : index
      %swap3A_86 = vector.load %arg6[%swap3A_84, %swap3A_85] : memref<2048x768xf32, #tpu.memory_space<vmem>>, vector<2048x768xf32>
      tpu.vector_store %arg6[%swap3A_84, %swap3A_85], %add3A_83 {strides = array<i32>} : memref<2048x768xf32, #tpu.memory_space<vmem>>, vector<2048x768xf32>,
    } else {
    }
    return
  }
  func.func @transform_0(%arg0: i32) -> (i32, i32) {
    %c0_i32 = arith.constant 0 : i32
    %c0_i32_0 = arith.constant 0 : i32
    %c0_i32_1 = arith.constant 0 : i32
    return %c0_i32, %c0_i32_0 : i32, i32
  }
  func.func @transform_1(%arg0: i32) -> (i32, i32, i32) {
    %c0_i32 = arith.constant 0 : i32
    %c0_i32_0 = arith.constant 0 : i32
    %c0_i32_1 = arith.constant 0 : i32
    return %arg0, %c0_i32, %c0_i32_0 : i32, i32, i32
  }
  func.func @transform_2(%arg0: i32) -> (i32, i32) {
    %c0_i32 = arith.constant 0 : i32
    %c0_i32_0 = arith.constant 0 : i32
    %c0_i32_1 = arith.constant 0 : i32
    return %c0_i32, %c0_i32_0 : i32, i32
  }
  func.func @transform_3(%arg0: i32) -> (i32, i32) {
    %c0_i32 = arith.constant 0 : i32
    %c0_i32_0 = arith.constant 0 : i32
    %c0_i32_1 = arith.constant 0 : i32
    return %c0_i32, %c0_i32_0 : i32, i32
  }
  func.func @transform_4(%arg0: i32) -> (i32, i32) {
    %c0_i32 = arith.constant 0 : i32
    %c0_i32_0 = arith.constant 0 : i32
    %c0_i32_1 = arith.constant 0 : i32
    return %c0_i32, %c0_i32_0 : i32, i32
  }
  func.func @transform_5(%arg0: i32) -> (i32, i32) {
    %c0_i32 = arith.constant 0 : i32
    %c0_i32_0 = arith.constant 0 : i32
    %c0_i32_1 = arith.constant 0 : i32
    return %c0_i32, %c0_i32_0 : i32, i32
  }
}

</mosaic_0001>

<sc_bundles>
// kernel: kernel.5.cloned.1.call-start
scs
__scs_entry_jumppad:
0x0: {  	(pc) =	sbr.rel $0x88, $3  }
0x1: {  	(tag) =	ssettag $0x0;
	lr =	simm.s32 $0x1  }
0x2: {  	[smem:$0x3F9C] =	sst lr;
	_ =	strace $0xD0000000  }
0x3: {  	_ = 	snop  }
0x4: {  	_ = 	snop  }
0x5: {  	_ = 	snop  }
0x6: {  	_ = 	snop  }
0x7: {  	_ = 	snop  }
__scs_overlays_trampoline_lowered:
0x8: {  	[smem:$0x3FAB] =	sst s0  }
0x9: {  	[smem:$0x3FAC] =	sst s1  }
0xa: {  	[smem:$0x3FAD] =	sst s2  }
0xb: {  	[smem:$0x3FAE] =	sst s3  }
0xc: {  	[smem:$0x3FAF] =	sst s4  }
0xd: {  	[smem:$0x3FB0] =	sst s5  }
0xe: {  	[smem:$0x3FB1] =	sst s6  }
0xf: {  	[smem:$0x3FB2] =	sst s7  }
0x10: {  	[smem:$0x3FB3] =	sst s8  }
0x11: {  	[smem:$0x3FB4] =	sst s9;
	s0 =	simm.s32 @!p0 $0x0  }
0x12: {  	s1 =	sld [smem:$0x3F9A];
	s0 =	simm.s32 @p0 $0x1  }
0x13: {  	[smem:$0x3FB5] =	sst s0;
	s0 =	simm.s32 @!p1 $0x0  }
0x14: {  	s2 =	sld [smem:$0x3F99];
	s0 =	simm.s32 @p1 $0x1  }
0x15: {  	[smem:$0x3FB6] =	sst s0;
	s0 =	simm.s32 @!p2 $0x0  }
0x16: {  	s3 =	sld [smem:$0x3FDB];
	s0 =	simm.s32 @p2 $0x1  }
0x17: {  	s4 =	simm.s32 $0x1BF5;
	[smem:$0x3FB8] =	sst s0  }
0x18: {  	s0 =	sld [smem:$0x3F9B];
	_ =	swait.ge [sflag:s4], $0x0  }
0x19: {  	s7 =	sld [smem:$0x3F9C]  }
0x1a: {  	s8 =	sadd.s32 $0xFFFFE003, lr  }
0x1b: {  	s9 =	sadd.s32 $0xFFFFFEF7, lr;
	s5 =	simm.s32 $0xFFFFFFFF;
	p2 =	slt.u32 s8, $0xFFFFF086  }
0x1c: {  	p1 =	slt.u32 s9, $0xF7A;
	s5 =	simm.s32 @!p2 $0x0  }
0x1d: {  	s5 =	simm.s32 @p1 $0x1;
	p0 =	seq.s32 s7, s2  }
0x1e: {  	s7 =	smul.u32 @!p0 $0xF7A, s2;
	p2 =	seq.s32 @!p0 s5, $0x0  }
0x1f: {  	s9 =	smul.u32 $0xF7A, s1;
	s8 =	simm.s32 @!p0 $0x1BF5;
	p2 =	por !p2, p0  }
0x20: {  	[sflag:s8] =	ssyncset.s32 @!p0 $0xFFFFF086;
	s6 =	sadd.s32 @!p0 s3, s7;
	s7 =	simm.s32 @!p0 $0x108  }
0x21: {  	s3 =	sadd.s32 s3, s9;
	s6 =	sadd.s32 @!p0 $0x88, s6;
	s7 =	simm.s32 @p2 $0x1082  }
0x22: {  	[simem:s7], [sflag:s8] =	dma.local @!p0 [hbm:s6], $0xF7A  }
0x23: {  	s9 =	sor.u32 $0xD0000000, s2;
	s6 =	simm.s32 $0x108;
	_ =	swait.ge @!p0 [sflag:s8], $0x0  }
0x24: {  	s3 =	sadd.s32 $0x88, s3;
	s6 =	simm.s32 @!p1 $0x1082;
	[sflag:s4] =	ssyncset.s32 $0xFFFFF086  }
0x25: {  	[simem:s6], [sflag:s4] =	dma.local [hbm:s3], $0xF7A  }
0x26: {  	[smem:$0x3F9C] =	sst s1;
	(tag) =	ssettag s2;
	_ =	strace s9  }
0x27: {  	s1 =	sld [smem:$0x3FAC]  }
0x28: {  	s2 =	sld [smem:$0x3FAD]  }
0x29: {  	s4 =	sld [smem:$0x3FAF]  }
0x2a: {  	p0 =	seq.s32 s5, $0x0;
	s5 =	sld [smem:$0x3FB0]  }
0x2b: {  	s6 =	sld [smem:$0x3FB1]  }
0x2c: {  	s7 =	sld [smem:$0x3FB2]  }
0x2d: {  	s3 =	simm.s32 $0x108;
	s8 =	sld [smem:$0x3FB3]  }
0x2e: {  	s3 =	simm.s32 @!p0 $0x1082;
	s9 =	sld [smem:$0x3FB4]  }
0x2f: {  	lr =	sadd.s32 s0, s3;
	s0 =	sld [smem:$0x3FAB]  }
0x30: {  	s3 =	sld [smem:$0x3FAE]  }
0x31: {  	[smem:$0x3FB7] =	sst s10  }
0x32: {  	s10 =	sld [smem:$0x3FB5];
	_ =	sdelay $0x3  }
0x33: {  	p0 =	seq.s32 s10, $0x1;
	s10 =	sld [smem:$0x3FB7];
	_ =	sdelay $0x3  }
0x34: {  	[smem:$0x3FB7] =	sst s10  }
0x35: {  	s10 =	sld [smem:$0x3FB6];
	_ =	sdelay $0x3  }
0x36: {  	p1 =	seq.s32 s10, $0x1;
	s10 =	sld [smem:$0x3FB7];
	_ =	sdelay $0x3  }
0x37: {  	[smem:$0x3FB7] =	sst s10  }
0x38: {  	s10 =	sld [smem:$0x3FB8]  }
0x39: {  	_ = 	snop;
	(pc) =	sbr.ind lr, $3  }
0x3a: {  	_ = 	snop  }
0x3b: {  	_ = 	snop  }
0x3c: {  	p2 =	seq.s32 s10, $0x1;
	s10 =	sld [smem:$0x3FB7]  }
0x3d: {  	_ =	shalt  }
0x3e: {  	_ =	shalt  }
0x3f: {  	_ =	shalt  }
0x40: {  	_ =	shalt  }
0x41: {  	_ =	shalt  }
0x42: {  	_ =	shalt  }
0x43: {  	_ =	shalt  }
0x44: {  	_ =	shalt  }
0x45: {  	_ =	shalt  }
0x46: {  	_ =	shalt  }
0x47: {  	_ =	shalt  }
0x48: {  	_ =	shalt  }
0x49: {  	_ =	shalt  }
0x4a: {  	_ =	shalt  }
0x4b: {  	_ =	shalt  }
0x4c: {  	_ =	shalt  }
0x4d: {  	_ =	shalt  }
0x4e: {  	_ =	shalt  }
0x4f: {  	_ =	shalt  }
0x50: {  	_ =	shalt  }
0x51: {  	_ =	shalt  }
0x52: {  	_ =	shalt  }
0x53: {  	_ =	shalt  }
0x54: {  	_ =	shalt  }
0x55: {  	_ =	shalt  }
0x56: {  	_ =	shalt  }
0x57: {  	_ =	shalt  }
0x58: {  	_ =	shalt  }
0x59: {  	_ =	shalt  }
0x5a: {  	_ =	shalt  }
0x5b: {  	_ =	shalt  }
0x5c: {  	_ =	shalt  }
0x5d: {  	_ =	shalt  }
0x5e: {  	_ =	shalt  }
0x5f: {  	_ =	shalt  }
0x60: {  	_ =	shalt  }
0x61: {  	_ =	shalt  }
0x62: {  	_ =	shalt  }
0x63: {  	_ =	shalt  }
0x64: {  	_ =	shalt  }
0x65: {  	_ =	shalt  }
0x66: {  	_ =	shalt  }
0x67: {  	_ =	shalt  }
0x68: {  	_ =	shalt  }
0x69: {  	_ =	shalt  }
0x6a: {  	_ =	shalt  }
0x6b: {  	_ =	shalt  }
0x6c: {  	_ =	shalt  }
0x6d: {  	_ =	shalt  }
0x6e: {  	_ =	shalt  }
0x6f: {  	_ =	shalt  }
0x70: {  	_ =	shalt  }
0x71: {  	_ =	shalt  }
0x72: {  	_ =	shalt  }
0x73: {  	_ =	shalt  }
0x74: {  	_ =	shalt  }
0x75: {  	_ =	shalt  }
0x76: {  	_ =	shalt  }
0x77: {  	_ =	shalt  }
0x78: {  	_ =	shalt  }
0x79: {  	_ =	shalt  }
0x7a: {  	_ =	shalt  }
0x7b: {  	_ =	shalt  }
0x7c: {  	_ =	shalt  }
0x7d: {  	_ =	shalt  }
0x7e: {  	_ =	shalt  }
0x7f: {  	_ =	shalt  }
0x80: {  	_ =	shalt  }
0x81: {  	_ =	shalt  }
0x82: {  	_ =	shalt  }
0x83: {  	_ =	shalt  }
0x84: {  	_ =	shalt  }
0x85: {  	_ =	shalt  }
0x86: {  	_ =	shalt  }
0x87: {  	_ =	shalt  }
.Lfunc_end0:
.L_simem_size_0:
called_computation_lowered:
.L_overlay_start_0:
0x88: {  	s2 =	sld [smem:$0x3FD9]  }
0x89: {  	s3 =	sld [smem:$0x3FFE];
	_ =	sdelay $0x1  }
0x8a: {  	s1 =	srdreg.scid  }
0x8b: {  	s0 =	sand.u32 $0x1, s1  }
0x8c: {  	s14 =	sshll.u32 s0, $0xA;
	s2 =	sadd.s32 s3, s2  }
0x8d: {  	s2 =	sadd.s32 s2, s14  }
0x8e: {  	[smem:$0x3FC3] =	sst s2  }
0x8f: {  	_ = 	snop  }
0x90: {  	s2 =	sld [smem:$0x3FD0];
	_ =	sdelay $0x2  }
0x91: {  	s15 =	simm.s32 $0xA;
	s4 =	simm.s32 $0x10  }
0x92: {  	[smem:s4], [sflag:s15] =	dma.local [hbm:s2], $0x1  }
0x93: {  	_ =	swait.eq [sflag:s15], $0x1  }
0x94: {  	[sflag:s15] =	ssyncset.done $0x0  }
0x95: {  	[sflag:s15] =	ssyncadd.s32 $0xFFFFFFFF  }
0x96: {  	s16 =	sld [smem:$0x11];
	(tm) =	ssettm $0x1  }
0x97: {  	s17 =	sld [smem:$0x3FFB];
	_ =	sdelay $0x3  }
0x98: {  	_ =	strace s17  }
0x99: {  	s3 =	sld [smem:$0x3FFC];
	_ =	sdelay $0x3  }
0x9a: {  	_ =	strace s3  }
0x9b: {  	s3 =	sld [smem:$0x3FFD];
	_ =	sdelay $0x3  }
0x9c: {  	_ =	strace s3  }
0x9d: {  	_ =	strace $0x8FFFFFFF  }
0x9e: {  	s18 =	sld [smem:$0x3FDB];
	_ =	sdelay $0x1  }
0x9f: {  	s19 =	simm.s32 $_scs_section_size  }
0xa0: {  	s5 =	simm.s32 $_size__tile_overlayer_lowered;
	s6 =	simm.s32 $_tile_overlayer_lowered  }
0xa1: {  	s22 =	simm.s32 $0x1BFF;
	s21 =	sshll.u32 s6, $0x1;
	s3 =	sadd.s32 s19, s18  }
0xa2: {  	s7 =	simm.s32 $0x0;
	s20 =	sshll.u32 s5, $0x1;
	s5 =	sadd.s32 s21, s3  }
0xa3: {  	[timem:s7], [sflag:s22] =	dma.local [hbm:s5], s20  }
0xa4: {  	_ =	swait.ge [sflag:s22], s20  }
0xa5: {  	s4 =	ssub.s32 $0x0, s20;
	[sflag:s22] =	ssyncset.done $0x0  }
0xa6: {  	[sflag:s22] =	ssyncadd.s32 s4;
	_ =	sdelay $0x1  }
0xa7: {  	s23 =	simm.s32 $0x1B8B  }
0xa8: {  	_ =	swait.ge [sflag:s23], $0x1  }
0xa9: {  	[sflag:s23] =	ssyncset.done $0x0  }
0xaa: {  	s25 =	simm.s32 $0x1B8E;
	s24 =	sld [smem:$0x3FFE];
	[sflag:s23] =	ssyncadd.s32 $0xFFFFFFFF  }
0xab: {  	s26 =	simm.s32 $execute0_lowered;
	[smem:$0x3FD2] =	sst s25  }
0xac: {  	s5 =	sshll.u32 s26, $0x1;
	_ =	strace $0x80000046;
	[dreg:$0x1] =	wrdreg $0xFFFFFFFF  }
0xad: {  	s28 =	simm.s32 $_size_execute0_lowered;
	s3 =	sadd.s32 s3, s5;
	[dreg:$0x0] =	wrdreg $0x0  }
0xae: {  	s5 =	sshll.u32 s28, $0x1;
	[dreg:$0x2] =	wrdreg s3  }
0xaf: {  	[dreg:$0x3] =	wrdreg s5  }
0xb0: {  	[dreg:$0x4] =	wrdreg $0xC0  }
0xb1: {  	_ =	task [dreg:s7], $0x5FFFF  }
0xb2: {  	[dreg:$0x1] =	wrdreg $0xFFFFFFFF  }
0xb3: {  	[dreg:$0x0] =	wrdreg $0x60  }
0xb4: {  	[dreg:$0x2] =	wrdreg s24  }
0xb5: {  	[dreg:$0x3] =	wrdreg s16  }
0xb6: {  	[dreg:$0x4] =	wrdreg $0x9  }
0xb7: {  	_ =	task.clear_ibuf [dreg:s7], $0x5FFFF;
	_ =	strace $0x90000046  }
0xb8: {  	s29 =	simm.s32 $0x9;
	_ =	strace $0x80000048  }
0xb9: {  	_ =	swait.ge [sflag:s29], $0x1  }
0xba: {  	[sflag:s29] =	ssyncadd.s32 $0xFFFFFFFF  }
0xbb: {  	_ =	strace $0x90000048  }
0xbc: {  	_ =	sfence  }
0xbd: {  	s30 =	sld [smem:$0x0];
	_ =	sdelay $0x2  }
0xbe: {  	s31 =	sshll.u32 s1, $0xD;
	s1 =	sshrl.u32 s1, $0x2  }
0xbf: {  	s3 =	sand.u32 $0x4000, s31;
	s1 =	sadd.s32 s1, s30  }
0xc0: {  	s0 =	sor.u32 s3, s0;
	s1 =	sshll.u32 s1, $0x11  }
0xc1: {  	s0 =	sor.u32 s1, s0  }
0xc2: {  	s0 =	sadd.s32 $0x8F2B, s0  }
0xc3: {  	[sflag:s0] =	ssyncadd.remote.s32 $0x1  }
0xc4: {  	_ =	sfence.sel $0xFFFF  }
0xc5: {  	[dreg:$0x0] =	wrdreg $0xFFFFFFFF;
	(pc) =	sbr.abs _section_cstart, $3  }
0xc6: {  	[dreg:$0x1] =	wrdreg $0xFFFFFFFF  }
0xc7: {  	_ =	task.clear_ibuf [dreg:s7], $0x2FFFF;
	_ =	strace $0x9FFFFFFF  }
0xc8: {  	(tm) =	ssettm $0x7FFFFFFF  }
0xc9: {  	_ =	shalt  }
tec
execute0_lowered:
.L_overlay_start_1:
0x0: {  	(tag) =	ssettag $0x1  }
0x1: {  	s3 =	rddreg [dreg:$0x0];
	s0 =	srdreg.scid  }
0x2: {  	s11 =	rddreg [dreg:$0x1];
	s1 =	stileid.u32;
	s2 =	simm.s32 $0x0  }
0x3: {  	s14 =	simm.s32 $0x1;
	s15 =	simm.s32 $0x80;
	s16 =	simm.s32 $0x100  }
0x4: {  	s17 =	simm.s32 $0x180;
	s18 =	simm.s32 $0x200;
	s19 =	simm.s32 $0x280  }
0x5: {  	s20 =	simm.s32 $0x300;
	s21 =	simm.s32 $0x380;
	s22 =	simm.s32 $0x400  }
0x6: {  	s23 =	simm.s32 $0x480;
	s4 =	sand.u32 $0x1, s0;
	s0 =	rddreg [dreg:$0x2]  }
0x7: {  	s5 =	sshll.u32 s1, $0xA;
	[smem:$0x7FF] =	sst s2;
	s8 =	sshll.u32 s1, $0x8  }
0x8: {  	s7 =	sshll.u32 s4, $0x6;
	s4 =	ssub.s32 $0x2, s4;
	_ =	strace $0x80000047  }
0x9: {  	s5 =	sor.u32 s7, s5;
	s6 =	sshrl.u32 s4, $0x1;
	s9 =	sor.u32 s7, s8  }
0xa: {  	s5 =	sshrl.u32 s5, $0x3;
	s13 =	ssub.s32 s4, s6;
	s12 =	sshrl.u32 s9, $0x3  }
0xb: {  	s10 =	sadd.s32 s5, s3;
	s11 =	sadd.s32 s11, s12;
	s13 =	smax.u32 s13, $0x1  }
0xc: {  	s3 =	sadd.s32 $0x1000, s10;
	s4 =	sadd.s32 $0x1010, s10;
	s5 =	sadd.s32 $0x1020, s10  }
0xd: {  	s6 =	sadd.s32 $0x1030, s10;
	s7 =	sadd.s32 $0x1040, s10;
	s8 =	sadd.s32 $0x1050, s10  }
0xe: {  	v0 =	vimm.f32 $0.0e+00;
	s9 =	sadd.s32 $0x1060, s10;
	s10 =	sadd.s32 $0x1070, s10;
	s12 =	sadd.s32 $0x10, s11  }
.LBB2_1:
0xf: {  	[tilespmem:s2], [sflag:$0x1] =	stream.linear.gather [hbm4b:s3+s2], $0x40, $0x38;
	[tilespmem:$0x500] =	vst v63  }
0x10: {  	_ =	swait.ge [sflag:s14], $0x40  }
0x11: {  	[sflag:s14] =	ssyncset.done $0x0  }
0x12: {  	[sflag:s14] =	ssyncadd.s32 $0xFFFFFFC0  }
0x13: {  	[tilespmem:s15], [sflag:$0x1] =	stream.linear.gather [hbm4b:s4+s2], $0x40, $0x38;
	[tilespmem:$0x500] =	vst v63  }
0x14: {  	_ =	swait.ge [sflag:s14], $0x40  }
0x15: {  	[sflag:s14] =	ssyncset.done $0x0  }
0x16: {  	[sflag:s14] =	ssyncadd.s32 $0xFFFFFFC0  }
0x17: {  	[tilespmem:s16], [sflag:$0x1] =	stream.linear.gather [hbm4b:s5+s2], $0x40, $0x38;
	[tilespmem:$0x500] =	vst v63  }
0x18: {  	_ =	swait.ge [sflag:s14], $0x40  }
0x19: {  	[sflag:s14] =	ssyncset.done $0x0  }
0x1a: {  	[sflag:s14] =	ssyncadd.s32 $0xFFFFFFC0  }
0x1b: {  	[tilespmem:s17], [sflag:$0x1] =	stream.linear.gather [hbm4b:s6+s2], $0x40, $0x38;
	[tilespmem:$0x500] =	vst v63  }
0x1c: {  	_ =	swait.ge [sflag:s14], $0x40  }
0x1d: {  	[sflag:s14] =	ssyncset.done $0x0  }
0x1e: {  	[sflag:s14] =	ssyncadd.s32 $0xFFFFFFC0  }
0x1f: {  	[tilespmem:s18], [sflag:$0x1] =	stream.linear.gather [hbm4b:s7+s2], $0x40, $0x38;
	[tilespmem:$0x500] =	vst v63  }
0x20: {  	_ =	swait.ge [sflag:s14], $0x40  }
0x21: {  	[sflag:s14] =	ssyncset.done $0x0  }
0x22: {  	[sflag:s14] =	ssyncadd.s32 $0xFFFFFFC0  }
0x23: {  	[tilespmem:s19], [sflag:$0x1] =	stream.linear.gather [hbm4b:s8+s2], $0x40, $0x38;
	[tilespmem:$0x500] =	vst v63  }
0x24: {  	_ =	swait.ge [sflag:s14], $0x40  }
0x25: {  	[sflag:s14] =	ssyncset.done $0x0  }
0x26: {  	[sflag:s14] =	ssyncadd.s32 $0xFFFFFFC0  }
0x27: {  	[tilespmem:s20], [sflag:$0x1] =	stream.linear.gather [hbm4b:s9+s2], $0x40, $0x38;
	[tilespmem:$0x500] =	vst v63  }
0x28: {  	_ =	swait.ge [sflag:s14], $0x40  }
0x29: {  	[sflag:s14] =	ssyncset.done $0x0  }
0x2a: {  	[sflag:s14] =	ssyncadd.s32 $0xFFFFFFC0  }
0x2b: {  	[tilespmem:s21], [sflag:$0x1] =	stream.linear.gather [hbm4b:s10+s2], $0x40, $0x38;
	[tilespmem:$0x500] =	vst v63  }
0x2c: {  	_ =	swait.ge [sflag:s14], $0x40  }
0x2d: {  	[sflag:s14] =	ssyncset.done $0x0  }
0x2e: {  	[sflag:s14] =	ssyncadd.s32 $0xFFFFFFC0  }
0x2f: {  	v4 =	vld [tilespmem:$0x0]  }
0x30: {  	v5 =	vld [tilespmem:$0x80]  }
0x31: {  	v7 =	vld [tilespmem:$0x100]  }
0x32: {  	v8 =	vld [tilespmem:$0x180]  }
0x33: {  	v9 =	vld [tilespmem:$0x200]  }
0x34: {  	v10 =	vld [tilespmem:$0x280]  }
0x35: {  	v11 =	vld [tilespmem:$0x300];
	v1 =	vmax.f32 v4, v5  }
0x36: {  	v12 =	vld [tilespmem:$0x380];
	v1 =	vmax.f32 v1, v7  }
0x37: {  	v1 =	vmax.f32 v1, v8  }
0x38: {  	v1 =	vmax.f32 v1, v9  }
0x39: {  	v1 =	vmax.f32 v1, v10  }
0x3a: {  	v1 =	vmax.f32 v1, v11  }
0x3b: {  	v14 =	vmax.f32 v1, v12  }
0x3c: {  	vm0 =	veq.f32 v4, v14  }
0x3d: {  	v3 =	vsel vm0, $0x3F800000, v0  }
0x3e: {  	vm9 =	veq.f32 v5, v14;
	v1 =	vsub.f32 $1.000000000e+00, v3  }
0x3f: {  	v2 =	vsel vm9, $0x3F800000, v0  }
0x40: {  	v13 =	vmul.f32 v1, v2;
	_ =	sdelay $0x1  }
0x41: {  	v1 =	vadd.f32 v13, v3;
	_ =	sdelay $0x1  }
0x42: {  	vm10 =	veq.f32 v7, v14;
	v2 =	vsub.f32 $1.000000000e+00, v1  }
0x43: {  	v6 =	vsel vm10, $0x3F800000, v0  }
0x44: {  	v15 =	vmul.f32 v2, v6;
	_ =	sdelay $0x1  }
0x45: {  	v1 =	vadd.f32 v15, v1;
	_ =	sdelay $0x1  }
0x46: {  	vm11 =	veq.f32 v8, v14;
	v2 =	vsub.f32 $1.000000000e+00, v1  }
0x47: {  	v48 =	vsel vm11, $0x3F800000, v0  }
0x48: {  	v17 =	vld [tilespmem:$0x10];
	v16 =	vmul.f32 v2, v48  }
0x49: {  	v18 =	vld [tilespmem:$0x90]  }
0x4a: {  	v21 =	vld [tilespmem:$0x110];
	v19 =	vadd.f32 v16, v1  }
0x4b: {  	v23 =	vld [tilespmem:$0x190]  }
0x4c: {  	v22 =	vld [tilespmem:$0x210];
	vm12 =	veq.f32 v9, v14;
	v1 =	vsub.f32 $1.000000000e+00, v19  }
0x4d: {  	v6 =	vld [tilespmem:$0x290];
	v2 =	vsel vm12, $0x3F800000, v0  }
0x4e: {  	v24 =	vmax.f32 v17, v18;
	v20 =	vmul.f32 v1, v2;
	v2 =	vld [tilespmem:$0x310]  }
0x4f: {  	v24 =	vmax.f32 v24, v21;
	v1 =	vld [tilespmem:$0x390]  }
0x50: {  	v24 =	vmax.f32 v24, v23;
	v19 =	vadd.f32 v20, v19  }
0x51: {  	v24 =	vmax.f32 v24, v22  }
0x52: {  	vm13 =	veq.f32 v10, v14;
	v24 =	vmax.f32 v24, v6;
	v25 =	vsub.f32 $1.000000000e+00, v19  }
0x53: {  	v26 =	vmul.f32 $1.000000020e+30, v3;
	v3 =	vsel vm13, $0x3F800000, v0;
	v24 =	vmax.f32 v24, v2  }
0x54: {  	v25 =	vmul.f32 v25, v3;
	v3 =	vmax.f32 v24, v1  }
0x55: {  	vm14 =	veq.f32 v17, v3  }
0x56: {  	vm4 =	veq.f32 v11, v14;
	v49 =	vsel vm14, $0x3F800000, v0  }
0x57: {  	v13 =	vmul.f32 $1.000000020e+30, v13;
	vm15 =	veq.f32 v18, v3;
	v50 =	vsub.f32 $1.000000000e+00, v49  }
0x58: {  	v4 =	vsub.f32 v4, v26;
	v15 =	vmul.f32 $1.000000020e+30, v15;
	v27 =	vsel vm15, $0x3F800000, v0  }
0x59: {  	v5 =	vsub.f32 v5, v13;
	v19 =	vadd.f32 v25, v19;
	v26 =	vmul.f32 v50, v27  }
0x5a: {  	v51 =	vsel vm4, $0x3F800000, v0;
	v7 =	vsub.f32 v7, v15;
	v54 =	vmul.f32 $1.000000020e+30, v16  }
0x5b: {  	v4 =	vmax.f32 v4, v5;
	v28 =	vsub.f32 $1.000000000e+00, v19;
	v53 =	vadd.f32 v26, v49  }
0x5c: {  	v4 =	vmax.f32 v4, v7;
	v7 =	vsub.f32 v8, v54;
	v55 =	vmul.f32 $1.000000020e+30, v20  }
0x5d: {  	vm5 =	veq.f32 v21, v3;
	v52 =	vmul.f32 v28, v51;
	v56 =	vsub.f32 $1.000000000e+00, v53  }
0x5e: {  	vm6 =	veq.f32 v12, v14;
	v9 =	vsub.f32 v9, v55;
	v57 =	vsel vm5, $0x3F800000, v0  }
0x5f: {  	v4 =	vmax.f32 v4, v7;
	v13 =	vadd.f32 v52, v19;
	v60 =	vmul.f32 v56, v57  }
0x60: {  	v59 =	vsel vm6, $0x3F800000, v0;
	v4 =	vmax.f32 v4, v9;
	vm7 =	veq.f32 v23, v3  }
0x61: {  	v16 =	vld [tilespmem:$0xA0];
	vm8 =	veq.f32 v22, v3;
	v58 =	vsub.f32 $1.000000000e+00, v13;
	v63 =	vadd.f32 v60, v53  }
0x62: {  	vm11 =	veq.f32 v6, v3;
	vm13 =	veq.f32 v2, v3;
	v61 =	vmul.f32 $1.000000020e+30, v25;
	v13 =	vld [tilespmem:$0x20]  }
0x63: {  	v20 =	vld [tilespmem:$0x120];
	v62 =	vmul.f32 $1.000000020e+30, v52;
	v8 =	vmul.f32 v58, v59;
	v29 =	vsub.f32 $1.000000000e+00, v63  }
0x64: {  	vm4 =	veq.f32 v1, v3;
	v31 =	vsel vm7, $0x3F800000, v0;
	v25 =	vsub.f32 v10, v61;
	v10 =	vld [tilespmem:$0x1A0]  }
0x65: {  	v11 =	vsub.f32 v11, v62;
	v27 =	vmul.f32 $1.000000020e+30, v8;
	v8 =	vld [tilespmem:$0x220];
	v32 =	vmul.f32 v29, v31  }
0x66: {  	v7 =	vld [tilespmem:$0x2A0];
	v38 =	vsel vm8, $0x3F800000, v0;
	v35 =	vmul.f32 $1.000000020e+30, v49;
	v4 =	vmax.f32 v4, v25  }
0x67: {  	v11 =	vmax.f32 v4, v11;
	v4 =	vld [tilespmem:$0x320];
	v33 =	vmax.f32 v13, v16;
	v34 =	vadd.f32 v32, v63  }
0x68: {  	v5 =	vld [tilespmem:$0x3A0];
	v47 =	vsel vm11, $0x3F800000, v0;
	v15 =	vsub.f32 v17, v35;
	v9 =	vmax.f32 v33, v20  }
0x69: {  	v50 =	vsel vm13, $0x3F800000, v0;
	v9 =	vmax.f32 v9, v10;
	v37 =	vsub.f32 $1.000000000e+00, v34  }
0x6a: {  	v36 =	vmul.f32 $1.000000020e+30, v26;
	v40 =	vmul.f32 $1.000000020e+30, v60;
	v9 =	vmax.f32 v9, v8  }
0x6b: {  	v30 =	vsub.f32 v12, v27;
	v9 =	vmax.f32 v9, v7;
	v24 =	vmul.f32 v37, v38  }
0x6c: {  	v17 =	vld [tilespmem:$0x30];
	v18 =	vsub.f32 v18, v36;
	v43 =	vsub.f32 v21, v40;
	v9 =	vmax.f32 v9, v4  }
0x6d: {  	v21 =	vld [tilespmem:$0xB0];
	v11 =	vmax.f32 v11, v30;
	v19 =	vmax.f32 v9, v5;
	v41 =	vadd.f32 v24, v34  }
0x6e: {  	v15 =	vmax.f32 v15, v18;
	v11 =	vsub.f32 v11, v14;
	vm9 =	veq.f32 v13, v19  }
0x6f: {  	v56 =	vsel vm4, $0x3F800000, v0;
	v9 =	vld [tilespmem:$0x130];
	v42 =	vsel vm9, $0x3F800000, v0;
	v46 =	vsub.f32 $1.000000000e+00, v41  }
0x70: {  	v39 =	vmul.f32 $1.442695020e+00, v11;
	v11 =	vld [tilespmem:$0x1B0];
	vm10 =	veq.f32 v16, v19;
	v44 =	vsub.f32 $1.000000000e+00, v42  }
0x71: {  	v12 =	vld [tilespmem:$0x230];
	v29 =	vmul.f32 $1.000000020e+30, v32;
	v45 =	vsel vm10, $0x3F800000, v0;
	v28 =	vmul.f32 v46, v47  }
0x72: {  	v48 =	vmax.f32 v15, v43;
	v14 =	vld [tilespmem:$0x2B0];
	v31 =	vmax.f32 v17, v21;
	v27 =	vmul.f32 v44, v45  }
0x73: {  	v15 =	vld [tilespmem:$0x330];
	v23 =	vsub.f32 v23, v29;
	(erf) = vpow2.f32 v39;
	v30 =	vadd.f32 v28, v41  }
0x74: {  	v18 =	vld [tilespmem:$0x3B0];
	vm12 =	veq.f32 v20, v19;
	v31 =	vmax.f32 v31, v9;
	v49 =	vadd.f32 v27, v42  }
0x75: {  	v23 =	vmax.f32 v48, v23;
	v31 =	vmax.f32 v31, v11;
	v34 =	vsub.f32 $1.000000000e+00, v30  }
0x76: {  	v32 =	vsel vm12, $0x3F800000, v0;
	v31 =	vmax.f32 v31, v12;
	v33 =	vsub.f32 $1.000000000e+00, v49  }
0x77: {  	v24 =	vmul.f32 $1.000000020e+30, v24;
	v31 =	vmax.f32 v31, v14;
	v51 =	vmul.f32 v34, v50  }
0x78: {  	vm14 =	veq.f32 v10, v19;
	v52 =	vmax.f32 v31, v15;
	v32 =	vmul.f32 v33, v32  }
0x79: {  	v24 =	vsub.f32 v22, v24;
	v22 =	vmax.f32 v52, v18;
	v30 =	vadd.f32 v51, v30  }
0x7a: {  	v53 =	vsel vm14, $0x3F800000, v0;
	vm15 =	veq.f32 v17, v22;
	v29 =	vadd.f32 v32, v49  }
0x7b: {  	v55 =	vmul.f32 $1.000000020e+30, v28;
	v28 =	vsel vm15, $0x3F800000, v0;
	v30 =	vsub.f32 $1.000000000e+00, v30  }
0x7c: {  	vm5 =	veq.f32 v21, v22;
	v57 =	vsub.f32 $1.000000000e+00, v28;
	v54 =	vsub.f32 $1.000000000e+00, v29  }
0x7d: {  	v58 =	vsel vm5, $0x3F800000, v0;
	v59 =	vmul.f32 $1.000000020e+30, v51;
	v30 =	vmul.f32 v30, v56  }
0x7e: {  	vm6 =	veq.f32 v8, v19;
	v25 =	vmul.f32 v57, v58;
	v31 =	vmul.f32 v54, v53  }
0x7f: {  	v6 =	vsub.f32 v6, v55;
	v2 =	vsub.f32 v2, v59;
	v30 =	vmul.f32 $1.000000020e+30, v30  }
0x80: {  	v23 =	vmax.f32 v23, v24;
	v34 =	vadd.f32 v25, v28;
	v29 =	vadd.f32 v31, v29  }
0x81: {  	vm7 =	veq.f32 v9, v22;
	v6 =	vmax.f32 v23, v6;
	v1 =	vsub.f32 v1, v30  }
0x82: {  	v2 =	vmax.f32 v6, v2;
	v63 =	vsub.f32 $1.000000000e+00, v34;
	v60 =	vsub.f32 $1.000000000e+00, v29  }
0x83: {  	v61 =	vsel vm6, $0x3F800000, v0;
	v33 =	vsel vm7, $0x3F800000, v0;
	v1 =	vmax.f32 v2, v1  }
0x84: {  	v35 =	vpop (erf);
	v62 =	vmul.f32 v60, v61;
	v1 =	vsub.f32 v1, v3;
	v3 =	vmul.f32 v63, v33  }
0x85: {  	v36 =	vadd.f32 $1.000000000e+00, v35  }
0x86: {  	v2 =	vadd.f32 v62, v29;
	v1 =	vmul.f32 $1.442695020e+00, v1;
	v39 =	vadd.f32 v3, v34  }
0x87: {  	vm8 =	veq.f32 v7, v19;
	vm9 =	veq.f32 v11, v22;
	(erf) = vrcp.f32 v36  }
0x88: {  	v37 =	vsub.f32 $1.000000000e+00, v2;
	(erf) = vpow2.f32 v1;
	v1 =	vsub.f32 $1.000000000e+00, v39  }
0x89: {  	v38 =	vsel vm8, $0x3F800000, v0;
	v41 =	vmul.f32 $1.000000020e+30, v42;
	v42 =	vsel vm9, $0x3F800000, v0  }
0x8a: {  	v40 =	vmul.f32 v37, v38;
	v1 =	vmul.f32 v1, v42  }
0x8b: {  	v27 =	vmul.f32 $1.000000020e+30, v27  }
0x8c: {  	v2 =	vadd.f32 v40, v2;
	v30 =	vadd.f32 v1, v39  }
0x8d: {  	vm10 =	veq.f32 v4, v19;
	v16 =	vsub.f32 v16, v27;
	v13 =	vsub.f32 v13, v41  }
0x8e: {  	vm11 =	veq.f32 v12, v22;
	v44 =	vsub.f32 $1.000000000e+00, v2;
	v47 =	vsub.f32 $1.000000000e+00, v30  }
0x8f: {  	v45 =	vsel vm10, $0x3F800000, v0;
	v48 =	vsel vm11, $0x3F800000, v0  }
0x90: {  	v13 =	vmax.f32 v13, v16;
	v24 =	vmul.f32 v44, v45;
	v16 =	vmul.f32 v47, v48  }
0x91: {  	vm12 =	veq.f32 v5, v19;
	vm13 =	veq.f32 v14, v22;
	v43 =	vmul.f32 $1.000000020e+30, v32  }
0x92: {  	vm14 =	veq.f32 v15, v22;
	v2 =	vadd.f32 v24, v2;
	v51 =	vadd.f32 v16, v30  }
0x93: {  	v50 =	vsel vm12, $0x3F800000, v0;
	v20 =	vsub.f32 v20, v43;
	v46 =	vmul.f32 $1.000000020e+30, v31  }
0x94: {  	v6 =	vmul.f32 $1.000000020e+30, v40;
	v2 =	vsub.f32 $1.000000000e+00, v2;
	v53 =	vsub.f32 $1.000000000e+00, v51  }
0x95: {  	v54 =	vsel vm13, $0x3F800000, v0;
	v10 =	vsub.f32 v10, v46;
	v49 =	vmul.f32 $1.000000020e+30, v62  }
0x96: {  	v6 =	vsub.f32 v7, v6;
	v2 =	vmul.f32 v2, v50;
	v7 =	vmul.f32 v53, v54  }
0x97: {  	v13 =	vmax.f32 v13, v20;
	v8 =	vsub.f32 v8, v49;
	v52 =	vmul.f32 $1.000000020e+30, v24  }
0x98: {  	v10 =	vmax.f32 v13, v10;
	v2 =	vmul.f32 $1.000000020e+30, v2;
	v55 =	vadd.f32 v7, v51  }
0x99: {  	vm15 =	veq.f32 v18, v22;
	v8 =	vmax.f32 v10, v8;
	v4 =	vsub.f32 v4, v52  }
0x9a: {  	v6 =	vmax.f32 v8, v6;
	v2 =	vsub.f32 v5, v2;
	v57 =	vsub.f32 $1.000000000e+00, v55  }
0x9b: {  	v60 =	vmul.f32 $1.000000020e+30, v25;
	v61 =	vsel vm14, $0x3F800000, v0;
	v4 =	vmax.f32 v6, v4  }
0x9c: {  	v59 =	vmul.f32 $1.000000020e+30, v28;
	v56 =	vpop (erf);
	v2 =	vmax.f32 v4, v2;
	v6 =	vmul.f32 v57, v61  }
0x9d: {  	v13 =	vsub.f32 v21, v60;
	v63 =	vsel vm15, $0x3F800000, v0;
	v58 =	vpop (erf);
	v2 =	vsub.f32 v2, v19  }
0x9e: {  	v3 =	vmul.f32 $1.000000020e+30, v3;
	v8 =	vadd.f32 $1.000000000e+00, v58;
	v5 =	vadd.f32 v6, v55  }
0x9f: {  	v10 =	vsub.f32 v17, v59;
	v1 =	vmul.f32 $1.000000020e+30, v1;
	v2 =	vmul.f32 $1.442695020e+00, v2  }
0xa0: {  	v3 =	vsub.f32 v9, v3;
	(erf) = vrcp.f32 v8;
	v5 =	vsub.f32 $1.000000000e+00, v5  }
0xa1: {  	v1 =	vsub.f32 v11, v1;
	v62 =	vmul.f32 $1.000000020e+30, v16;
	(erf) = vpow2.f32 v2  }
0xa2: {  	v7 =	vmul.f32 $1.000000020e+30, v7;
	v2 =	vmax.f32 v10, v13;
	v5 =	vmul.f32 v5, v63  }
0xa3: {  	v6 =	vmul.f32 $1.000000020e+30, v6;
	v2 =	vmax.f32 v2, v3;
	v3 =	vsub.f32 v12, v62  }
0xa4: {  	v1 =	vmax.f32 v2, v1;
	v2 =	vsub.f32 v14, v7;
	v5 =	vmul.f32 $1.000000020e+30, v5  }
0xa5: {  	v1 =	vmax.f32 v1, v3;
	v3 =	vsub.f32 v15, v6  }
0xa6: {  	v1 =	vmax.f32 v1, v2;
	v2 =	vsub.f32 v18, v5;
	_ =	sdelay $0x1  }
0xa7: {  	v1 =	vmax.f32 v1, v3  }
0xa8: {  	v3 =	vpop (erf);
	v1 =	vmax.f32 v1, v2  }
0xa9: {  	v1 =	vsub.f32 v1, v22;
	v2 =	vpop (erf)  }
0xaa: {  	v2 =	vadd.f32 $1.000000000e+00, v2  }
0xab: {  	v1 =	vmul.f32 $1.442695020e+00, v1  }
0xac: {  	(erf) = vrcp.f32 v2  }
0xad: {  	(erf) = vpow2.f32 v1;
	_ =	sdelay $0x7  }
0xae: {  	v1 =	vpop (erf)  }
0xaf: {  	v2 =	vpop (erf)  }
0xb0: {  	v2 =	vadd.f32 $1.000000000e+00, v2;
	_ =	sdelay $0x1  }
0xb1: {  	(erf) = vrcp.f32 v2;
	_ =	sdelay $0x3  }
0xb2: {  	v2 =	vsub.f32 $1.000000000e+00, v56  }
0xb3: {  	[tilespmem:$0x400] =	vst v56  }
0xb4: {  	[tilespmem:$0x480] =	vst v2;
	v2 =	vsub.f32 $1.000000000e+00, v3  }
0xb5: {  	[tilespmem:$0x410] =	vst v3  }
0xb6: {  	[tilespmem:$0x490] =	vst v2;
	v2 =	vsub.f32 $1.000000000e+00, v1  }
0xb7: {  	[tilespmem:$0x420] =	vst v1;
	v1 =	vpop (erf)  }
0xb8: {  	[tilespmem:$0x4A0] =	vst v2;
	v2 =	vsub.f32 $1.000000000e+00, v1  }
0xb9: {  	[tilespmem:$0x430] =	vst v1  }
0xba: {  	[tilespmem:$0x4B0] =	vst v2  }
0xbb: {  	[hbm4b:s11+s2] =	stream.linear.scatter [tilespmem:s22], [sflag:$0x1], $0x40, $0x38;
	[tilespmem:$0x500] =	vst v63  }
0xbc: {  	_ =	swait.ge [sflag:s14], $0x40  }
0xbd: {  	p0 =	sne.s32 s13, $0x1;
	[sflag:s14] =	ssyncset.done $0x0  }
.Ltmp0:
0xbe: {  	[sflag:s14] =	ssyncadd.s32 $0xFFFFFFC0;
	(pc) =	sbr.rel @p0 .LBB2_1-.Ltmp0, $4  }
0xbf: {  	[hbm4b:s12+s2] =	stream.linear.scatter [tilespmem:s23], [sflag:$0x1], $0x40, $0x38;
	[tilespmem:$0x500] =	vst v63  }
0xc0: {  	_ =	swait.ge [sflag:s14], $0x40  }
0xc1: {  	[sflag:s14] =	ssyncset.done $0x0  }
0xc2: {  	s13 =	sadd.s32 $0xFFFFFFFF, s13;
	[sflag:s14] =	ssyncadd.s32 $0xFFFFFFC0  }
0xc3: {  	_ =	sfence.sel $0x180000  }
0xc4: {  	[bflag:$0x0] =	sbarrier.arrive $0xFFFF  }
0xc5: {  	p0 =	sne.s32 s1, $0x0;
	_ =	strace $0x90000047  }
0xc6: {  	s0 =	sadd.s32 @!p0 $0x100000, s0;
	[bflag:$0x2] =	sbarrier.arrive $0xFFFF  }
0xc7: {  	[sflag:s0] =	ssyncadd.tile.s32 @!p0 $0x1;
	_ =	shalt  }
.Lfunc_end2:
_tile_overlayer_lowered:
.L_overlay_start_2:
0xc8: {  	(tag) =	ssettag $0x2  }
0xc9: {  	s0 =	rddreg [dreg:$0x0];
	s2 =	stileid.u32  }
0xca: {  	s1 =	rddreg [dreg:$0x1];
	p0 =	sne.s32 s2, $0x0  }
0xcb: {  	s3 =	rddreg [dreg:$0x2];
	[bflag:$0x3] =	sbarrier.arrive $0xFFFF;
	s2 =	simm.s32 @!p0 $0x1C01  }
0xcc: {  	[timem:s3], [sflag:s2] =	dma.local @!p0 [hbm:s0], s1  }
0xcd: {  	s0 =	simm.s32 @!p0 $0x1  }
0xce: {  	_ =	swait.ge @!p0 [sflag:s0], s1  }
0xcf: {  	s1 =	ssub.s32 @!p0 $0x0, s1;
	[sflag:s0] =	ssyncset.done @!p0 $0x0  }
0xd0: {  	[sflag:s0] =	ssyncadd.s32 @!p0 s1  }
0xd1: {  	[bflag:$0x3] =	sbarrier.arrive $0xFFFF  }
0xd2: {  	_ =	shalt  }

</sc_bundles>
